<compile_context>
chip_gen: v7x
topology: tpu7x:2x2x1
jax: 0.10.2.dev20260603
libtpu: 0.0.44.dev20260713+nightly
codegen_flags: <defaults>
</compile_context>

<pallas_src>
import functools

import jax
import jax.numpy as jnp
from jax import lax
from jax.experimental import pallas as pl
from jax.experimental.pallas import tpu as pltpu
from jax.experimental.pallas import tpu_sc as plsc

_NC = 2
_NS = 16
_NW = _NC * _NS
_L = 16

_B = 1000
_BP = 1024
_BW = _BP // _NW
_NNB = 8
_NBW = _BW * _NNB
_NBH = _NBW // 2
_KH = _NNB // 2
_DIM = 512
_EPS = 0.01
_NRELP = 64
_NCTX = 16
_EPR = 8


def _sc_gather(u_pad, v_pad, adj_cat, usr, ent):
    mesh = plsc.VectorSubcoreMesh(core_axis_name="c", subcore_axis_name="s")
    _CH = 64
    _NCHN = _NBW // _CH

    @functools.partial(
        pl.kernel,
        mesh=mesh,
        compiler_params=pltpu.CompilerParams(needs_layout_passes=False),
        out_type=(
            jax.ShapeDtypeStruct((_BP, _DIM), jnp.float32),
            jax.ShapeDtypeStruct((_BP, _DIM), jnp.float32),
            jax.ShapeDtypeStruct((_BP * _NNB,), jnp.int32),
            jax.ShapeDtypeStruct((_BP * _NNB, _DIM), jnp.float32),
        ),
        scratch_types=[
            pltpu.VMEM((_BW,), jnp.int32),
            pltpu.VMEM((_BW,), jnp.int32),
            pltpu.VMEM((_BW,), jnp.int32),
            pltpu.VMEM((_BW,), jnp.int32),
            pltpu.VMEM((_BW, 128), jnp.int32),
            pltpu.VMEM((_CH,), jnp.int32),
            pltpu.VMEM((_CH,), jnp.int32),
            pltpu.VMEM((_CH,), jnp.int32),
            pltpu.VMEM((_CH,), jnp.int32),
            pltpu.VMEM((_NBW,), jnp.int32),
            pltpu.VMEM((_CH, _DIM), jnp.float32),
            pltpu.VMEM((_CH, _DIM), jnp.float32),
            pltpu.VMEM((_CH, _DIM), jnp.float32),
            pltpu.SemaphoreType.DMA,
            pltpu.SemaphoreType.DMA,
            pltpu.SemaphoreType.DMA,
            pltpu.SemaphoreType.DMA,
            pltpu.SemaphoreType.DMA,
            pltpu.SemaphoreType.DMA,
            pltpu.SemaphoreType.DMA,
            pltpu.SemaphoreType.DMA,
        ],
    )
    def k(u_hbm, v_hbm, adj_hbm, usr_hbm, ent_hbm,
          uemb_out, self_out, nbrel_out, nbvec_out,
          uidx, vidx, vgidx, vmidx, adj_rows, fl0, fl1, fl2, fl3, frel,
          buf_a, buf_b, buf_c,
          sem_a, sem_gu, sem_g0, sem_g1, sem_ou, sem_o0, sem_o1, sem_f):
        wid = lax.axis_index("s") * _NC + lax.axis_index("c")
        base = wid * _BW
        pltpu.sync_copy(u_hbm.at[pl.ds(base, _BW)], uidx)
        pltpu.sync_copy(v_hbm.at[pl.ds(base, _BW)], vidx)
        for h in range(_BW // _L):
            vv = vidx[pl.ds(h * _L, _L)]
            vgidx[pl.ds(h * _L, _L)] = lax.shift_right_logical(vv, 3)
            vmidx[pl.ds(h * _L, _L)] = lax.shift_left(
                lax.bitwise_and(vv, 7), 4)
        ca = pltpu.async_copy(adj_hbm.at[vgidx], adj_rows, sem_a)
        gu = pltpu.async_copy(usr_hbm.at[uidx], buf_a.at[pl.ds(0, _BW)],
                              sem_gu)
        gv = pltpu.async_copy(ent_hbm.at[vidx], buf_a.at[pl.ds(_BW, _BW)],
                              sem_gu)
        ca.wait()
        lane = lax.iota(jnp.int32, _L)
        rowoff = lax.shift_right_logical(lane, 3)
        koff = lax.bitwise_and(lane, 7)
        fls = [fl0, fl1, fl2, fl3]
        gn = [None] * _NCHN
        bufs = [buf_b, buf_c, buf_a, buf_b]
        gsems = [sem_g0, sem_g1, sem_gu, sem_g0]
        for c in range(_NCHN):
            for j in range(_CH // _L):
                rows_j = rowoff + (c * (_CH // _L) + j) * 2
                off = plsc.load_gather(vmidx, [rows_j]) + koff
                fls[c][pl.ds(j * _L, _L)] = plsc.load_gather(
                    adj_rows, [rows_j, off])
            if c < 2:
                gn[c] = pltpu.async_copy(ent_hbm.at[fls[c]], bufs[c],
                                         gsems[c])
        for jj in range(_NBW // _L):
            rows_jj = rowoff + jj * 2
            off = plsc.load_gather(vmidx, [rows_jj]) + koff + _NNB
            frel[pl.ds(jj * _L, _L)] = plsc.load_gather(adj_rows,
                                                        [rows_jj, off])
        cf = pltpu.async_copy(frel, nbrel_out.at[pl.ds(wid * _NBW, _NBW)],
                              sem_f)
        gu.wait()
        gv.wait()
        ou = pltpu.async_copy(buf_a.at[pl.ds(0, _BW)],
                              uemb_out.at[pl.ds(base, _BW)], sem_ou)
        ov = pltpu.async_copy(buf_a.at[pl.ds(_BW, _BW)],
                              self_out.at[pl.ds(base, _BW)], sem_ou)
        osems = [sem_o0, sem_o1, sem_ou, sem_o0]
        on = [None] * _NCHN
        nbase = base * _NNB
        for c in range(_NCHN):
            if c == 2:
                ou.wait()
                ov.wait()
                gn[2] = pltpu.async_copy(ent_hbm.at[fls[2]], bufs[2],
                                         gsems[2])
            if c == 3:
                on[0].wait()
                gn[3] = pltpu.async_copy(ent_hbm.at[fls[3]], bufs[3],
                                         gsems[3])
            gn[c].wait()
            on[c] = pltpu.async_copy(
                bufs[c], nbvec_out.at[pl.ds(nbase + c * _CH, _CH)], osems[c])
        on[1].wait()
        on[2].wait()
        on[3].wait()
        cf.wait()

    return k(u_pad, v_pad, adj_cat, usr, ent)


def _tc_compute(user_emb, self_vec, nb_vec, nb_rel, relT, W_aggT, W_linP):
    BM = 256
    grid = (_BP // BM,)

    def body(user_ref, self_ref, nb_ref, nbr_ref, relT_ref,
             wagg_ref, wlin_ref, fea_ref, feaa_ref):
        i = pl.program_id(0)
        user = user_ref[...]
        s_all = jnp.dot(user, relT_ref[...], preferred_element_type=jnp.float32)
        nbr = nbr_ref[...]
        r_iota = lax.broadcasted_iota(jnp.int32, (BM, _NRELP), 1)
        cols = []
        for kk in range(_NNB):
            sel = nbr[:, kk:kk + 1] == r_iota
            cols.append(jnp.sum(jnp.where(sel, s_all, 0.0), axis=1,
                                keepdims=True))
        scores = jnp.concatenate(cols, axis=1)
        m = jnp.max(scores, axis=-1, keepdims=True)
        e = jnp.exp(scores - m)
        w = e / jnp.sum(e, axis=-1, keepdims=True)
        agg = w[:, 0:1] * nb_ref[:, 0:_DIM]
        for kk in range(1, _NNB):
            agg = agg + w[:, kk:kk + 1] * nb_ref[:, kk * _DIM:(kk + 1) * _DIM]
        x = self_ref[...] + agg
        item = jnp.tanh(jnp.dot(x, wagg_ref[...],
                                preferred_element_type=jnp.float32))
        xp = x + jnp.sign(agg) * _EPS
        item2 = jnp.tanh(jnp.dot(xp, wagg_ref[...],
                                 preferred_element_type=jnp.float32))
        wl = wlin_ref[...]
        fa = jnp.dot(wl, item, preferred_element_type=jnp.float32)
        fb = jnp.dot(wl, item2, preferred_element_type=jnp.float32)

        @pl.when(i == 0)
        def _():
            fea_ref[...] = jnp.zeros_like(fea_ref)
            feaa_ref[...] = jnp.zeros_like(feaa_ref)

        fea_ref[...] += fa
        feaa_ref[...] += fb

    return pl.pallas_call(
        body,
        grid=grid,
        in_specs=[
            pl.BlockSpec((BM, _DIM), lambda i: (i, 0)),
            pl.BlockSpec((BM, _DIM), lambda i: (i, 0)),
            pl.BlockSpec((BM, _NNB * _DIM), lambda i: (i, 0)),
            pl.BlockSpec((BM, _NNB), lambda i: (i, 0)),
            pl.BlockSpec((_DIM, _NRELP), lambda i: (0, 0)),
            pl.BlockSpec((_DIM, _DIM), lambda i: (0, 0)),
            pl.BlockSpec((_NCTX, BM), lambda i: (0, i)),
        ],
        out_specs=[
            pl.BlockSpec((_NCTX, _DIM), lambda i: (0, 0)),
            pl.BlockSpec((_NCTX, _DIM), lambda i: (0, 0)),
        ],
        out_shape=[
            jax.ShapeDtypeStruct((_NCTX, _DIM), jnp.float32),
            jax.ShapeDtypeStruct((_NCTX, _DIM), jnp.float32),
        ],
    )(user_emb, self_vec, nb_vec, nb_rel, relT, W_aggT, W_linP)


def kernel(u, v, adj_ent, adj_rel, usr, ent, rel, W_agg, W_lin):
    bsz = u.shape[0]
    u_pad = jnp.zeros((_BP,), jnp.int32).at[:bsz].set(u.astype(jnp.int32))
    v_pad = jnp.zeros((_BP,), jnp.int32).at[:bsz].set(v.astype(jnp.int32))
    adj_cat = jnp.concatenate(
        [adj_ent.astype(jnp.int32), adj_rel.astype(jnp.int32)],
        axis=1).reshape(-1, 128)

    uemb, selfv, nbrel_flat, nbvec_flat = _sc_gather(
        u_pad, v_pad, adj_cat, usr, ent)

    nbvec = nbvec_flat.reshape(_BP, _NNB * _DIM)
    nb_rel = nbrel_flat.reshape(_BP, _NNB)
    relT = jnp.zeros((_DIM, _NRELP), jnp.float32).at[:, :rel.shape[0]].set(rel.T)
    W_linP = jnp.zeros((_NCTX, _BP), jnp.float32).at[:, :bsz].set(W_lin)

    fea, fea_agg = _tc_compute(uemb, selfv, nbvec, nb_rel,
                               relT, W_agg.T, W_linP)
    return fea, fea_agg

# --- scband reference (transcript-rebuilt; emitter-appended) ---
"""Pipeline reference for scband-kgcn-83691732730319 (READ-ONLY COPY).

The authoritative reference and input builder live on the scoring server;
editing this copy changes nothing except your own understanding.
"""

import jax, jax.numpy as jnp
import numpy as np

B = 1000
DIM = 512
NNB = 8
NUM_USER = 1000
NUM_ENT = 50000
NUM_REL = 60
NCTX = 16
EPS = 0.01


def setup_inputs(seed: int = 0) -> dict:
    key = jax.random.key(seed)
    ks = jax.random.split(key, 9)
    u = jax.random.randint(ks[0], (B,), 0, NUM_USER)
    v = jax.random.randint(ks[1], (B,), 0, NUM_ENT)
    adj_ent = jax.random.randint(ks[2], (NUM_ENT, NNB), 0, NUM_ENT)
    adj_rel = jax.random.randint(ks[3], (NUM_ENT, NNB), 0, NUM_REL + 1)
    usr = jax.random.normal(ks[4], (NUM_USER, DIM), dtype=jnp.float32) * 0.02
    ent = jax.random.normal(ks[5], (NUM_ENT, DIM), dtype=jnp.float32) * 0.02
    rel = jax.random.normal(ks[6], (NUM_REL + 1, DIM), dtype=jnp.float32) * 0.02
    W_agg = jax.random.normal(ks[7], (DIM, DIM), dtype=jnp.float32) * (1.0 / np.sqrt(DIM))
    W_lin = jax.random.normal(ks[8], (NCTX, B), dtype=jnp.float32) * (1.0 / np.sqrt(B))
    return {"u": u, "v": v, "adj_ent": adj_ent, "adj_rel": adj_rel,
            "usr": usr, "ent": ent, "rel": rel, "W_agg": W_agg, "W_lin": W_lin}


def reference(u, v, adj_ent, adj_rel, usr, ent, rel, W_agg, W_lin):
    Bsz = u.shape[0]
    # user embeddings: usr(u.view(-1,1)).squeeze(1)
    user_emb = jnp.take(usr, u, axis=0)  # [B, DIM]
    v2 = v[:, None]  # [B, 1]
    # _get_neighbors (n_iter=1): gather fixed-size neighbor lists
    nb_ent = jnp.take(adj_ent, v2, axis=0).reshape(Bsz, -1)  # [B, NNB]
    nb_rel = jnp.take(adj_rel, v2, axis=0).reshape(Bsz, -1)  # [B, NNB]

    def aggregate(is_agg):
        # entity/relation vector gathers
        self_vec = jnp.take(ent, v2, axis=0)                       # [B, 1, DIM]
        nb_vec = jnp.take(ent, nb_ent, axis=0).reshape(Bsz, 1, NNB, DIM)
        rel_vec = jnp.take(rel, nb_rel, axis=0).reshape(Bsz, 1, NNB, DIM)
        # _mix_neighbor_vectors
        ue = user_emb.reshape(Bsz, 1, 1, DIM)
        scores = jnp.sum(ue * rel_vec, axis=-1)                    # [B, 1, NNB]
        w = jax.nn.softmax(scores, axis=-1)[..., None]             # [B, 1, NNB, 1]
        agg = jnp.sum(w * nb_vec, axis=2)                          # [B, 1, DIM]
        if is_agg:
            # torch: randn(...).uniform_(0,1) -> actually uniform(0,1);
            # F.normalize(noise, 1) => L1-normalize along dim=1 (size-1 dim here)
            nkey = jax.random.key(1234)
            noise = jax.random.uniform(nkey, agg.shape, dtype=jnp.float32)
            denom = jnp.maximum(jnp.sum(jnp.abs(noise), axis=1, keepdims=True), 1e-12)
            agg = agg + jnp.sign(agg) * (noise / denom) * EPS
        # 'sum' aggregator: linear(DIM->DIM, no bias), act=tanh (last hop)
        out = (self_vec + agg).reshape(-1, DIM) @ W_agg.T
        return jnp.tanh(out).reshape(Bsz, DIM)

    item_embeddings = aggregate(False)
    item_embeddings_agg = aggregate(True)
    # isLinear branch: fea = Linear(item.t()).t()  with Linear(B -> NCTX, no bias)
    fea = (item_embeddings.T @ W_lin.T).T          # [NCTX, DIM]
    fea_agg = (item_embeddings_agg.T @ W_lin.T).T  # [NCTX, DIM]
    return (fea, fea_agg)

if __name__ == "__main__":
    import jax
    _d = setup_inputs()
    print(jax.jit(kernel)(*tuple(_d.values())))

</pallas_src>

<mosaic_0001>
#map = affine_map<(d0, d1) -> (0)>
#map1 = affine_map<(d0, d1) -> (0, 0)>
module attributes {stable_mosaic.version = 14 : i64} {
  func.func @k(%arg0: i32, %arg1: i32, %arg2: memref<1024xi32, #tpu.memory_space<hbm>>, %arg3: memref<1024xi32, #tpu.memory_space<hbm>>, %arg4: memref<6250x128xi32, #tpu.memory_space<hbm>>, %arg5: memref<1000x512xf32, #tpu.memory_space<hbm>>, %arg6: memref<50000x512xf32, #tpu.memory_space<hbm>>, %arg7: memref<1024x512xf32, #tpu.memory_space<hbm>>, %arg8: memref<1024x512xf32, #tpu.memory_space<hbm>>, %arg9: memref<8192xi32, #tpu.memory_space<hbm>>, %arg10: memref<8192x512xf32, #tpu.memory_space<hbm>>, %arg11: memref<32xi32, #tpu.memory_space<vmem>>, %arg12: memref<32xi32, #tpu.memory_space<vmem>>, %arg13: memref<32xi32, #tpu.memory_space<vmem>>, %arg14: memref<32xi32, #tpu.memory_space<vmem>>, %arg15: memref<32x128xi32, #tpu.memory_space<vmem>>, %arg16: memref<64xi32, #tpu.memory_space<vmem>>, %arg17: memref<64xi32, #tpu.memory_space<vmem>>, %arg18: memref<64xi32, #tpu.memory_space<vmem>>, %arg19: memref<64xi32, #tpu.memory_space<vmem>>, %arg20: memref<256xi32, #tpu.memory_space<vmem>>, %arg21: memref<64x512xf32, #tpu.memory_space<vmem>>, %arg22: memref<64x512xf32, #tpu.memory_space<vmem>>, %arg23: memref<64x512xf32, #tpu.memory_space<vmem>>, %arg24: memref<!tpu.dma_semaphore, #tpu.memory_space<semaphore_mem>>, %arg25: memref<!tpu.dma_semaphore, #tpu.memory_space<semaphore_mem>>, %arg26: memref<!tpu.dma_semaphore, #tpu.memory_space<semaphore_mem>>, %arg27: memref<!tpu.dma_semaphore, #tpu.memory_space<semaphore_mem>>, %arg28: memref<!tpu.dma_semaphore, #tpu.memory_space<semaphore_mem>>, %arg29: memref<!tpu.dma_semaphore, #tpu.memory_space<semaphore_mem>>, %arg30: memref<!tpu.dma_semaphore, #tpu.memory_space<semaphore_mem>>, %arg31: memref<!tpu.dma_semaphore, #tpu.memory_space<semaphore_mem>>) attributes {dimension_semantics = [#tpu.dimension_semantics<core_parallel>, #tpu.dimension_semantics<subcore_parallel>], iteration_bounds = array<i64: 2, 16>, scalar_prefetch = 0 : i64, scratch_operands = 21 : i64, tpu.core_type = #tpu.core_type<sc_vector_subcore>, window_params = [{transform_indices = #map}, {transform_indices = #map}, {transform_indices = #map1}, {transform_indices = #map1}, {transform_indices = #map1}, {transform_indices = #map1}, {transform_indices = #map1}, {transform_indices = #map}, {transform_indices = #map1}]} {
    %mul3A = arith.constant 2 : i32
    %mul3A_0 = arith.muli %arg1, %mul3A : i32
    %add3A = arith.addi %mul3A_0, %arg0 : i32
    %mul3A_1 = arith.constant 32 : i32
    %mul3A_2 = arith.muli %add3A, %mul3A_1 : i32
    "tpu.region"() ({
      %run_scoped3A = tpu.sem_alloc : memref<!tpu.dma_semaphore, #tpu.memory_space<semaphore_mem>>
      %dma_start3A_477 = tpu.memref_slice %arg2[%mul3A_2] : memref<1024xi32, #tpu.memory_space<hbm>> -> memref<32xi32, #tpu.memory_space<hbm>>
      %dma_start3A_478 = tpu.memref_slice %arg2[%mul3A_2] : memref<1024xi32, #tpu.memory_space<hbm>> -> memref<32xi32, #tpu.memory_space<hbm>>
      tpu.enqueue_dma source(%dma_start3A_478 : memref<32xi32, #tpu.memory_space<hbm>>) target(%arg11 : memref<32xi32, #tpu.memory_space<vmem>>) target_semaphore(%run_scoped3A : memref<!tpu.dma_semaphore, #tpu.memory_space<semaphore_mem>>)
      %dma_wait3A_479 = tpu.memref_slice %arg2[%mul3A_2] : memref<1024xi32, #tpu.memory_space<hbm>> -> memref<32xi32, #tpu.memory_space<hbm>>
      %dma_wait3A_480 = tpu.memref_slice %arg2[%mul3A_2] : memref<1024xi32, #tpu.memory_space<hbm>> -> memref<32xi32, #tpu.memory_space<hbm>>
      tpu.wait_dma2 semaphore(%run_scoped3A : memref<!tpu.dma_semaphore, #tpu.memory_space<semaphore_mem>>) src(%dma_wait3A_480 : memref<32xi32, #tpu.memory_space<hbm>>) dst(%arg11 : memref<32xi32, #tpu.memory_space<vmem>>)
      tpu.yield
    }) : () -> ()
    "tpu.region"() ({
      %run_scoped3A = tpu.sem_alloc : memref<!tpu.dma_semaphore, #tpu.memory_space<semaphore_mem>>
      %dma_start3A_477 = tpu.memref_slice %arg3[%mul3A_2] : memref<1024xi32, #tpu.memory_space<hbm>> -> memref<32xi32, #tpu.memory_space<hbm>>
      %dma_start3A_478 = tpu.memref_slice %arg3[%mul3A_2] : memref<1024xi32, #tpu.memory_space<hbm>> -> memref<32xi32, #tpu.memory_space<hbm>>
      tpu.enqueue_dma source(%dma_start3A_478 : memref<32xi32, #tpu.memory_space<hbm>>) target(%arg12 : memref<32xi32, #tpu.memory_space<vmem>>) target_semaphore(%run_scoped3A : memref<!tpu.dma_semaphore, #tpu.memory_space<semaphore_mem>>)
      %dma_wait3A_479 = tpu.memref_slice %arg3[%mul3A_2] : memref<1024xi32, #tpu.memory_space<hbm>> -> memref<32xi32, #tpu.memory_space<hbm>>
      %dma_wait3A_480 = tpu.memref_slice %arg3[%mul3A_2] : memref<1024xi32, #tpu.memory_space<hbm>> -> memref<32xi32, #tpu.memory_space<hbm>>
      tpu.wait_dma2 semaphore(%run_scoped3A : memref<!tpu.dma_semaphore, #tpu.memory_space<semaphore_mem>>) src(%dma_wait3A_480 : memref<32xi32, #tpu.memory_space<hbm>>) dst(%arg12 : memref<32xi32, #tpu.memory_space<vmem>>)
      tpu.yield
    }) : () -> ()
    %get3A = arith.constant 0 : index
    %get3A_3 = tpu.vector_load %arg12[%get3A] {strides = array<i32>} : memref<32xi32, #tpu.memory_space<vmem>>, vector<16xi32>,
    %shift_right_logical3A = arith.constant 3 : i32
    %shift_right_logical3A_4 = vector.broadcast %shift_right_logical3A : i32 to vector<16xi32>
    %shift_right_logical3A_5 = arith.shrui %get3A_3, %shift_right_logical3A_4 : vector<16xi32>
    %swap3A = arith.constant 0 : index
    %swap3A_6 = tpu.vector_load %arg13[%swap3A] {strides = array<i32>} : memref<32xi32, #tpu.memory_space<vmem>>, vector<16xi32>,
    tpu.vector_store %arg13[%swap3A], %shift_right_logical3A_5 {strides = array<i32>} : memref<32xi32, #tpu.memory_space<vmem>>, vector<16xi32>,
    %and3A = arith.constant 7 : i32
    %and3A_7 = vector.broadcast %and3A : i32 to vector<16xi32>
    %and3A_8 = arith.andi %get3A_3, %and3A_7 : vector<16xi32>
    %shift_left3A = arith.constant 4 : i32
    %shift_left3A_9 = vector.broadcast %shift_left3A : i32 to vector<16xi32>
    %shift_left3A_10 = arith.shli %and3A_8, %shift_left3A_9 : vector<16xi32>
    %swap3A_11 = arith.constant 0 : index
    %swap3A_12 = tpu.vector_load %arg14[%swap3A_11] {strides = array<i32>} : memref<32xi32, #tpu.memory_space<vmem>>, vector<16xi32>,
    tpu.vector_store %arg14[%swap3A_11], %shift_left3A_10 {strides = array<i32>} : memref<32xi32, #tpu.memory_space<vmem>>, vector<16xi32>,
    %get3A_13 = arith.constant 16 : index
    %get3A_14 = tpu.vector_load %arg12[%get3A_13] {strides = array<i32>} : memref<32xi32, #tpu.memory_space<vmem>>, vector<16xi32>,
    %shift_right_logical3A_15 = arith.constant 3 : i32
    %shift_right_logical3A_16 = vector.broadcast %shift_right_logical3A_15 : i32 to vector<16xi32>
    %shift_right_logical3A_17 = arith.shrui %get3A_14, %shift_right_logical3A_16 : vector<16xi32>
    %swap3A_18 = arith.constant 16 : index
    %swap3A_19 = tpu.vector_load %arg13[%swap3A_18] {strides = array<i32>} : memref<32xi32, #tpu.memory_space<vmem>>, vector<16xi32>,
    tpu.vector_store %arg13[%swap3A_18], %shift_right_logical3A_17 {strides = array<i32>} : memref<32xi32, #tpu.memory_space<vmem>>, vector<16xi32>,
    %and3A_20 = arith.constant 7 : i32
    %and3A_21 = vector.broadcast %and3A_20 : i32 to vector<16xi32>
    %and3A_22 = arith.andi %get3A_14, %and3A_21 : vector<16xi32>
    %shift_left3A_23 = arith.constant 4 : i32
    %shift_left3A_24 = vector.broadcast %shift_left3A_23 : i32 to vector<16xi32>
    %shift_left3A_25 = arith.shli %and3A_22, %shift_left3A_24 : vector<16xi32>
    %swap3A_26 = arith.constant 16 : index
    %swap3A_27 = tpu.vector_load %arg14[%swap3A_26] {strides = array<i32>} : memref<32xi32, #tpu.memory_space<vmem>>, vector<16xi32>,
    tpu.vector_store %arg14[%swap3A_26], %shift_left3A_25 {strides = array<i32>} : memref<32xi32, #tpu.memory_space<vmem>>, vector<16xi32>,
    %dma_start3A = arith.constant 0 : i32
    %dma_start3A_28 = arith.constant 0 : i32
    %dma_start3A_29 = tpu.memref_slice %arg4[%dma_start3A, %dma_start3A_28] : memref<6250x128xi32, #tpu.memory_space<hbm>> -> memref<6250x128xi32, #tpu.memory_space<hbm>>
    tpu.enqueue_indirect_dma source(%dma_start3A_29 : memref<6250x128xi32, #tpu.memory_space<hbm>>) target(%arg15 : memref<32x128xi32, #tpu.memory_space<vmem>>) offsets(%arg13 : memref<32xi32, #tpu.memory_space<vmem>>) semaphore(%arg24 : memref<!tpu.dma_semaphore, #tpu.memory_space<semaphore_mem>>)
    %dma_start3A_30 = arith.constant 0 : i32
    %dma_start3A_31 = arith.constant 0 : i32
    %dma_start3A_32 = tpu.memref_slice %arg21[%dma_start3A_30, %dma_start3A_31] : memref<64x512xf32, #tpu.memory_space<vmem>> -> memref<32x512xf32, #tpu.memory_space<vmem>>
    %dma_start3A_33 = arith.constant 0 : i32
    %dma_start3A_34 = arith.constant 0 : i32
    %dma_start3A_35 = tpu.memref_slice %arg5[%dma_start3A_33, %dma_start3A_34] : memref<1000x512xf32, #tpu.memory_space<hbm>> -> memref<1000x512xf32, #tpu.memory_space<hbm>>
    tpu.enqueue_indirect_dma source(%dma_start3A_35 : memref<1000x512xf32, #tpu.memory_space<hbm>>) target(%dma_start3A_32 : memref<32x512xf32, #tpu.memory_space<vmem>>) offsets(%arg11 : memref<32xi32, #tpu.memory_space<vmem>>) semaphore(%arg25 : memref<!tpu.dma_semaphore, #tpu.memory_space<semaphore_mem>>)
    %dma_start3A_36 = arith.constant 32 : i32
    %dma_start3A_37 = arith.constant 0 : i32
    %dma_start3A_38 = tpu.memref_slice %arg21[%dma_start3A_36, %dma_start3A_37] : memref<64x512xf32, #tpu.memory_space<vmem>> -> memref<32x512xf32, #tpu.memory_space<vmem>>
    %dma_start3A_39 = arith.constant 0 : i32
    %dma_start3A_40 = arith.constant 0 : i32
    %dma_start3A_41 = tpu.memref_slice %arg6[%dma_start3A_39, %dma_start3A_40] : memref<50000x512xf32, #tpu.memory_space<hbm>> -> memref<50000x512xf32, #tpu.memory_space<hbm>>
    tpu.enqueue_indirect_dma source(%dma_start3A_41 : memref<50000x512xf32, #tpu.memory_space<hbm>>) target(%dma_start3A_38 : memref<32x512xf32, #tpu.memory_space<vmem>>) offsets(%arg12 : memref<32xi32, #tpu.memory_space<vmem>>) semaphore(%arg25 : memref<!tpu.dma_semaphore, #tpu.memory_space<semaphore_mem>>)
    %dma_wait3A = arith.constant 0 : i32
    %dma_wait3A_42 = arith.constant 0 : i32
    %dma_wait3A_43 = tpu.memref_slice %arg4[%dma_wait3A, %dma_wait3A_42] : memref<6250x128xi32, #tpu.memory_space<hbm>> -> memref<6250x128xi32, #tpu.memory_space<hbm>>
    tpu.wait_indirect_dma semaphore(%arg24 : memref<!tpu.dma_semaphore, #tpu.memory_space<semaphore_mem>>) src(%dma_wait3A_43 : memref<6250x128xi32, #tpu.memory_space<hbm>>) dst(%arg15 : memref<32x128xi32, #tpu.memory_space<vmem>>)
    %iota3A = tpu.iota {dimensions = array<i32: 0>} : vector<16xi32>
    %shift_right_logical3A_44 = arith.constant 3 : i32
    %shift_right_logical3A_45 = vector.broadcast %shift_right_logical3A_44 : i32 to vector<16xi32>
    %shift_right_logical3A_46 = arith.shrui %iota3A, %shift_right_logical3A_45 : vector<16xi32>
    %and3A_47 = arith.constant 7 : i32
    %and3A_48 = vector.broadcast %and3A_47 : i32 to vector<16xi32>
    %and3A_49 = arith.andi %iota3A, %and3A_48 : vector<16xi32>
    %add3A_50 = arith.constant 0 : i32
    %add3A_51 = vector.broadcast %add3A_50 : i32 to vector<16xi32>
    %add3A_52 = arith.addi %shift_right_logical3A_46, %add3A_51 : vector<16xi32>
    %gather3A = tpu.vector_load_idx %arg14[%add3A_52] : memref<32xi32, #tpu.memory_space<vmem>>[vector<16xi32>], vector<16xi32>,
    %add3A_53 = arith.addi %gather3A, %and3A_49 : vector<16xi32>
    %gather3A_54 = tpu.vector_load_idx %arg15[%add3A_52, %add3A_53] : memref<32x128xi32, #tpu.memory_space<vmem>>[vector<16xi32>, vector<16xi32>], vector<16xi32>,
    %swap3A_55 = arith.constant 0 : index
    %swap3A_56 = tpu.vector_load %arg16[%swap3A_55] {strides = array<i32>} : memref<64xi32, #tpu.memory_space<vmem>>, vector<16xi32>,
    tpu.vector_store %arg16[%swap3A_55], %gather3A_54 {strides = array<i32>} : memref<64xi32, #tpu.memory_space<vmem>>, vector<16xi32>,
    %add3A_57 = arith.constant 2 : i32
    %add3A_58 = vector.broadcast %add3A_57 : i32 to vector<16xi32>
    %add3A_59 = arith.addi %shift_right_logical3A_46, %add3A_58 : vector<16xi32>
    %gather3A_60 = tpu.vector_load_idx %arg14[%add3A_59] : memref<32xi32, #tpu.memory_space<vmem>>[vector<16xi32>], vector<16xi32>,
    %add3A_61 = arith.addi %gather3A_60, %and3A_49 : vector<16xi32>
    %gather3A_62 = tpu.vector_load_idx %arg15[%add3A_59, %add3A_61] : memref<32x128xi32, #tpu.memory_space<vmem>>[vector<16xi32>, vector<16xi32>], vector<16xi32>,
    %swap3A_63 = arith.constant 16 : index
    %swap3A_64 = tpu.vector_load %arg16[%swap3A_63] {strides = array<i32>} : memref<64xi32, #tpu.memory_space<vmem>>, vector<16xi32>,
    tpu.vector_store %arg16[%swap3A_63], %gather3A_62 {strides = array<i32>} : memref<64xi32, #tpu.memory_space<vmem>>, vector<16xi32>,
    %add3A_65 = arith.constant 4 : i32
    %add3A_66 = vector.broadcast %add3A_65 : i32 to vector<16xi32>
    %add3A_67 = arith.addi %shift_right_logical3A_46, %add3A_66 : vector<16xi32>
    %gather3A_68 = tpu.vector_load_idx %arg14[%add3A_67] : memref<32xi32, #tpu.memory_space<vmem>>[vector<16xi32>], vector<16xi32>,
    %add3A_69 = arith.addi %gather3A_68, %and3A_49 : vector<16xi32>
    %gather3A_70 = tpu.vector_load_idx %arg15[%add3A_67, %add3A_69] : memref<32x128xi32, #tpu.memory_space<vmem>>[vector<16xi32>, vector<16xi32>], vector<16xi32>,
    %swap3A_71 = arith.constant 32 : index
    %swap3A_72 = tpu.vector_load %arg16[%swap3A_71] {strides = array<i32>} : memref<64xi32, #tpu.memory_space<vmem>>, vector<16xi32>,
    tpu.vector_store %arg16[%swap3A_71], %gather3A_70 {strides = array<i32>} : memref<64xi32, #tpu.memory_space<vmem>>, vector<16xi32>,
    %add3A_73 = arith.constant 6 : i32
    %add3A_74 = vector.broadcast %add3A_73 : i32 to vector<16xi32>
    %add3A_75 = arith.addi %shift_right_logical3A_46, %add3A_74 : vector<16xi32>
    %gather3A_76 = tpu.vector_load_idx %arg14[%add3A_75] : memref<32xi32, #tpu.memory_space<vmem>>[vector<16xi32>], vector<16xi32>,
    %add3A_77 = arith.addi %gather3A_76, %and3A_49 : vector<16xi32>
    %gather3A_78 = tpu.vector_load_idx %arg15[%add3A_75, %add3A_77] : memref<32x128xi32, #tpu.memory_space<vmem>>[vector<16xi32>, vector<16xi32>], vector<16xi32>,
    %swap3A_79 = arith.constant 48 : index
    %swap3A_80 = tpu.vector_load %arg16[%swap3A_79] {strides = array<i32>} : memref<64xi32, #tpu.memory_space<vmem>>, vector<16xi32>,
    tpu.vector_store %arg16[%swap3A_79], %gather3A_78 {strides = array<i32>} : memref<64xi32, #tpu.memory_space<vmem>>, vector<16xi32>,
    %dma_start3A_81 = arith.constant 0 : i32
    %dma_start3A_82 = arith.constant 0 : i32
    %dma_start3A_83 = tpu.memref_slice %arg6[%dma_start3A_81, %dma_start3A_82] : memref<50000x512xf32, #tpu.memory_space<hbm>> -> memref<50000x512xf32, #tpu.memory_space<hbm>>
    tpu.enqueue_indirect_dma source(%dma_start3A_83 : memref<50000x512xf32, #tpu.memory_space<hbm>>) target(%arg22 : memref<64x512xf32, #tpu.memory_space<vmem>>) offsets(%arg16 : memref<64xi32, #tpu.memory_space<vmem>>) semaphore(%arg26 : memref<!tpu.dma_semaphore, #tpu.memory_space<semaphore_mem>>)
    %add3A_84 = arith.constant 8 : i32
    %add3A_85 = vector.broadcast %add3A_84 : i32 to vector<16xi32>
    %add3A_86 = arith.addi %shift_right_logical3A_46, %add3A_85 : vector<16xi32>
    %gather3A_87 = tpu.vector_load_idx %arg14[%add3A_86] : memref<32xi32, #tpu.memory_space<vmem>>[vector<16xi32>], vector<16xi32>,
    %add3A_88 = arith.addi %gather3A_87, %and3A_49 : vector<16xi32>
    %gather3A_89 = tpu.vector_load_idx %arg15[%add3A_86, %add3A_88] : memref<32x128xi32, #tpu.memory_space<vmem>>[vector<16xi32>, vector<16xi32>], vector<16xi32>,
    %swap3A_90 = arith.constant 0 : index
    %swap3A_91 = tpu.vector_load %arg17[%swap3A_90] {strides = array<i32>} : memref<64xi32, #tpu.memory_space<vmem>>, vector<16xi32>,
    tpu.vector_store %arg17[%swap3A_90], %gather3A_89 {strides = array<i32>} : memref<64xi32, #tpu.memory_space<vmem>>, vector<16xi32>,
    %add3A_92 = arith.constant 10 : i32
    %add3A_93 = vector.broadcast %add3A_92 : i32 to vector<16xi32>
    %add3A_94 = arith.addi %shift_right_logical3A_46, %add3A_93 : vector<16xi32>
    %gather3A_95 = tpu.vector_load_idx %arg14[%add3A_94] : memref<32xi32, #tpu.memory_space<vmem>>[vector<16xi32>], vector<16xi32>,
    %add3A_96 = arith.addi %gather3A_95, %and3A_49 : vector<16xi32>
    %gather3A_97 = tpu.vector_load_idx %arg15[%add3A_94, %add3A_96] : memref<32x128xi32, #tpu.memory_space<vmem>>[vector<16xi32>, vector<16xi32>], vector<16xi32>,
    %swap3A_98 = arith.constant 16 : index
    %swap3A_99 = tpu.vector_load %arg17[%swap3A_98] {strides = array<i32>} : memref<64xi32, #tpu.memory_space<vmem>>, vector<16xi32>,
    tpu.vector_store %arg17[%swap3A_98], %gather3A_97 {strides = array<i32>} : memref<64xi32, #tpu.memory_space<vmem>>, vector<16xi32>,
    %add3A_100 = arith.constant 12 : i32
    %add3A_101 = vector.broadcast %add3A_100 : i32 to vector<16xi32>
    %add3A_102 = arith.addi %shift_right_logical3A_46, %add3A_101 : vector<16xi32>
    %gather3A_103 = tpu.vector_load_idx %arg14[%add3A_102] : memref<32xi32, #tpu.memory_space<vmem>>[vector<16xi32>], vector<16xi32>,
    %add3A_104 = arith.addi %gather3A_103, %and3A_49 : vector<16xi32>
    %gather3A_105 = tpu.vector_load_idx %arg15[%add3A_102, %add3A_104] : memref<32x128xi32, #tpu.memory_space<vmem>>[vector<16xi32>, vector<16xi32>], vector<16xi32>,
    %swap3A_106 = arith.constant 32 : index
    %swap3A_107 = tpu.vector_load %arg17[%swap3A_106] {strides = array<i32>} : memref<64xi32, #tpu.memory_space<vmem>>, vector<16xi32>,
    tpu.vector_store %arg17[%swap3A_106], %gather3A_105 {strides = array<i32>} : memref<64xi32, #tpu.memory_space<vmem>>, vector<16xi32>,
    %add3A_108 = arith.constant 14 : i32
    %add3A_109 = vector.broadcast %add3A_108 : i32 to vector<16xi32>
    %add3A_110 = arith.addi %shift_right_logical3A_46, %add3A_109 : vector<16xi32>
    %gather3A_111 = tpu.vector_load_idx %arg14[%add3A_110] : memref<32xi32, #tpu.memory_space<vmem>>[vector<16xi32>], vector<16xi32>,
    %add3A_112 = arith.addi %gather3A_111, %and3A_49 : vector<16xi32>
    %gather3A_113 = tpu.vector_load_idx %arg15[%add3A_110, %add3A_112] : memref<32x128xi32, #tpu.memory_space<vmem>>[vector<16xi32>, vector<16xi32>], vector<16xi32>,
    %swap3A_114 = arith.constant 48 : index
    %swap3A_115 = tpu.vector_load %arg17[%swap3A_114] {strides = array<i32>} : memref<64xi32, #tpu.memory_space<vmem>>, vector<16xi32>,
    tpu.vector_store %arg17[%swap3A_114], %gather3A_113 {strides = array<i32>} : memref<64xi32, #tpu.memory_space<vmem>>, vector<16xi32>,
    %dma_start3A_116 = arith.constant 0 : i32
    %dma_start3A_117 = arith.constant 0 : i32
    %dma_start3A_118 = tpu.memref_slice %arg6[%dma_start3A_116, %dma_start3A_117] : memref<50000x512xf32, #tpu.memory_space<hbm>> -> memref<50000x512xf32, #tpu.memory_space<hbm>>
    tpu.enqueue_indirect_dma source(%dma_start3A_118 : memref<50000x512xf32, #tpu.memory_space<hbm>>) target(%arg23 : memref<64x512xf32, #tpu.memory_space<vmem>>) offsets(%arg17 : memref<64xi32, #tpu.memory_space<vmem>>) semaphore(%arg27 : memref<!tpu.dma_semaphore, #tpu.memory_space<semaphore_mem>>)
    %add3A_119 = arith.constant 16 : i32
    %add3A_120 = vector.broadcast %add3A_119 : i32 to vector<16xi32>
    %add3A_121 = arith.addi %shift_right_logical3A_46, %add3A_120 : vector<16xi32>
    %gather3A_122 = tpu.vector_load_idx %arg14[%add3A_121] : memref<32xi32, #tpu.memory_space<vmem>>[vector<16xi32>], vector<16xi32>,
    %add3A_123 = arith.addi %gather3A_122, %and3A_49 : vector<16xi32>
    %gather3A_124 = tpu.vector_load_idx %arg15[%add3A_121, %add3A_123] : memref<32x128xi32, #tpu.memory_space<vmem>>[vector<16xi32>, vector<16xi32>], vector<16xi32>,
    %swap3A_125 = arith.constant 0 : index
    %swap3A_126 = tpu.vector_load %arg18[%swap3A_125] {strides = array<i32>} : memref<64xi32, #tpu.memory_space<vmem>>, vector<16xi32>,
    tpu.vector_store %arg18[%swap3A_125], %gather3A_124 {strides = array<i32>} : memref<64xi32, #tpu.memory_space<vmem>>, vector<16xi32>,
    %add3A_127 = arith.constant 18 : i32
    %add3A_128 = vector.broadcast %add3A_127 : i32 to vector<16xi32>
    %add3A_129 = arith.addi %shift_right_logical3A_46, %add3A_128 : vector<16xi32>
    %gather3A_130 = tpu.vector_load_idx %arg14[%add3A_129] : memref<32xi32, #tpu.memory_space<vmem>>[vector<16xi32>], vector<16xi32>,
    %add3A_131 = arith.addi %gather3A_130, %and3A_49 : vector<16xi32>
    %gather3A_132 = tpu.vector_load_idx %arg15[%add3A_129, %add3A_131] : memref<32x128xi32, #tpu.memory_space<vmem>>[vector<16xi32>, vector<16xi32>], vector<16xi32>,
    %swap3A_133 = arith.constant 16 : index
    %swap3A_134 = tpu.vector_load %arg18[%swap3A_133] {strides = array<i32>} : memref<64xi32, #tpu.memory_space<vmem>>, vector<16xi32>,
    tpu.vector_store %arg18[%swap3A_133], %gather3A_132 {strides = array<i32>} : memref<64xi32, #tpu.memory_space<vmem>>, vector<16xi32>,
    %add3A_135 = arith.constant 20 : i32
    %add3A_136 = vector.broadcast %add3A_135 : i32 to vector<16xi32>
    %add3A_137 = arith.addi %shift_right_logical3A_46, %add3A_136 : vector<16xi32>
    %gather3A_138 = tpu.vector_load_idx %arg14[%add3A_137] : memref<32xi32, #tpu.memory_space<vmem>>[vector<16xi32>], vector<16xi32>,
    %add3A_139 = arith.addi %gather3A_138, %and3A_49 : vector<16xi32>
    %gather3A_140 = tpu.vector_load_idx %arg15[%add3A_137, %add3A_139] : memref<32x128xi32, #tpu.memory_space<vmem>>[vector<16xi32>, vector<16xi32>], vector<16xi32>,
    %swap3A_141 = arith.constant 32 : index
    %swap3A_142 = tpu.vector_load %arg18[%swap3A_141] {strides = array<i32>} : memref<64xi32, #tpu.memory_space<vmem>>, vector<16xi32>,
    tpu.vector_store %arg18[%swap3A_141], %gather3A_140 {strides = array<i32>} : memref<64xi32, #tpu.memory_space<vmem>>, vector<16xi32>,
    %add3A_143 = arith.constant 22 : i32
    %add3A_144 = vector.broadcast %add3A_143 : i32 to vector<16xi32>
    %add3A_145 = arith.addi %shift_right_logical3A_46, %add3A_144 : vector<16xi32>
    %gather3A_146 = tpu.vector_load_idx %arg14[%add3A_145] : memref<32xi32, #tpu.memory_space<vmem>>[vector<16xi32>], vector<16xi32>,
    %add3A_147 = arith.addi %gather3A_146, %and3A_49 : vector<16xi32>
    %gather3A_148 = tpu.vector_load_idx %arg15[%add3A_145, %add3A_147] : memref<32x128xi32, #tpu.memory_space<vmem>>[vector<16xi32>, vector<16xi32>], vector<16xi32>,
    %swap3A_149 = arith.constant 48 : index
    %swap3A_150 = tpu.vector_load %arg18[%swap3A_149] {strides = array<i32>} : memref<64xi32, #tpu.memory_space<vmem>>, vector<16xi32>,
    tpu.vector_store %arg18[%swap3A_149], %gather3A_148 {strides = array<i32>} : memref<64xi32, #tpu.memory_space<vmem>>, vector<16xi32>,
    %add3A_151 = arith.constant 24 : i32
    %add3A_152 = vector.broadcast %add3A_151 : i32 to vector<16xi32>
    %add3A_153 = arith.addi %shift_right_logical3A_46, %add3A_152 : vector<16xi32>
    %gather3A_154 = tpu.vector_load_idx %arg14[%add3A_153] : memref<32xi32, #tpu.memory_space<vmem>>[vector<16xi32>], vector<16xi32>,
    %add3A_155 = arith.addi %gather3A_154, %and3A_49 : vector<16xi32>
    %gather3A_156 = tpu.vector_load_idx %arg15[%add3A_153, %add3A_155] : memref<32x128xi32, #tpu.memory_space<vmem>>[vector<16xi32>, vector<16xi32>], vector<16xi32>,
    %swap3A_157 = arith.constant 0 : index
    %swap3A_158 = tpu.vector_load %arg19[%swap3A_157] {strides = array<i32>} : memref<64xi32, #tpu.memory_space<vmem>>, vector<16xi32>,
    tpu.vector_store %arg19[%swap3A_157], %gather3A_156 {strides = array<i32>} : memref<64xi32, #tpu.memory_space<vmem>>, vector<16xi32>,
    %add3A_159 = arith.constant 26 : i32
    %add3A_160 = vector.broadcast %add3A_159 : i32 to vector<16xi32>
    %add3A_161 = arith.addi %shift_right_logical3A_46, %add3A_160 : vector<16xi32>
    %gather3A_162 = tpu.vector_load_idx %arg14[%add3A_161] : memref<32xi32, #tpu.memory_space<vmem>>[vector<16xi32>], vector<16xi32>,
    %add3A_163 = arith.addi %gather3A_162, %and3A_49 : vector<16xi32>
    %gather3A_164 = tpu.vector_load_idx %arg15[%add3A_161, %add3A_163] : memref<32x128xi32, #tpu.memory_space<vmem>>[vector<16xi32>, vector<16xi32>], vector<16xi32>,
    %swap3A_165 = arith.constant 16 : index
    %swap3A_166 = tpu.vector_load %arg19[%swap3A_165] {strides = array<i32>} : memref<64xi32, #tpu.memory_space<vmem>>, vector<16xi32>,
    tpu.vector_store %arg19[%swap3A_165], %gather3A_164 {strides = array<i32>} : memref<64xi32, #tpu.memory_space<vmem>>, vector<16xi32>,
    %add3A_167 = arith.constant 28 : i32
    %add3A_168 = vector.broadcast %add3A_167 : i32 to vector<16xi32>
    %add3A_169 = arith.addi %shift_right_logical3A_46, %add3A_168 : vector<16xi32>
    %gather3A_170 = tpu.vector_load_idx %arg14[%add3A_169] : memref<32xi32, #tpu.memory_space<vmem>>[vector<16xi32>], vector<16xi32>,
    %add3A_171 = arith.addi %gather3A_170, %and3A_49 : vector<16xi32>
    %gather3A_172 = tpu.vector_load_idx %arg15[%add3A_169, %add3A_171] : memref<32x128xi32, #tpu.memory_space<vmem>>[vector<16xi32>, vector<16xi32>], vector<16xi32>,
    %swap3A_173 = arith.constant 32 : index
    %swap3A_174 = tpu.vector_load %arg19[%swap3A_173] {strides = array<i32>} : memref<64xi32, #tpu.memory_space<vmem>>, vector<16xi32>,
    tpu.vector_store %arg19[%swap3A_173], %gather3A_172 {strides = array<i32>} : memref<64xi32, #tpu.memory_space<vmem>>, vector<16xi32>,
    %add3A_175 = arith.constant 30 : i32
    %add3A_176 = vector.broadcast %add3A_175 : i32 to vector<16xi32>
    %add3A_177 = arith.addi %shift_right_logical3A_46, %add3A_176 : vector<16xi32>
    %gather3A_178 = tpu.vector_load_idx %arg14[%add3A_177] : memref<32xi32, #tpu.memory_space<vmem>>[vector<16xi32>], vector<16xi32>,
    %add3A_179 = arith.addi %gather3A_178, %and3A_49 : vector<16xi32>
    %gather3A_180 = tpu.vector_load_idx %arg15[%add3A_177, %add3A_179] : memref<32x128xi32, #tpu.memory_space<vmem>>[vector<16xi32>, vector<16xi32>], vector<16xi32>,
    %swap3A_181 = arith.constant 48 : index
    %swap3A_182 = tpu.vector_load %arg19[%swap3A_181] {strides = array<i32>} : memref<64xi32, #tpu.memory_space<vmem>>, vector<16xi32>,
    tpu.vector_store %arg19[%swap3A_181], %gather3A_180 {strides = array<i32>} : memref<64xi32, #tpu.memory_space<vmem>>, vector<16xi32>,
    %add3A_183 = arith.constant 0 : i32
    %add3A_184 = vector.broadcast %add3A_183 : i32 to vector<16xi32>
    %add3A_185 = arith.addi %shift_right_logical3A_46, %add3A_184 : vector<16xi32>
    %gather3A_186 = tpu.vector_load_idx %arg14[%add3A_185] : memref<32xi32, #tpu.memory_space<vmem>>[vector<16xi32>], vector<16xi32>,
    %add3A_187 = arith.addi %gather3A_186, %and3A_49 : vector<16xi32>
    %add3A_188 = arith.constant 8 : i32
    %add3A_189 = vector.broadcast %add3A_188 : i32 to vector<16xi32>
    %add3A_190 = arith.addi %add3A_187, %add3A_189 : vector<16xi32>
    %gather3A_191 = tpu.vector_load_idx %arg15[%add3A_185, %add3A_190] : memref<32x128xi32, #tpu.memory_space<vmem>>[vector<16xi32>, vector<16xi32>], vector<16xi32>,
    %swap3A_192 = arith.constant 0 : index
    %swap3A_193 = tpu.vector_load %arg20[%swap3A_192] {strides = array<i32>} : memref<256xi32, #tpu.memory_space<vmem>>, vector<16xi32>,
    tpu.vector_store %arg20[%swap3A_192], %gather3A_191 {strides = array<i32>} : memref<256xi32, #tpu.memory_space<vmem>>, vector<16xi32>,
    %add3A_194 = arith.constant 2 : i32
    %add3A_195 = vector.broadcast %add3A_194 : i32 to vector<16xi32>
    %add3A_196 = arith.addi %shift_right_logical3A_46, %add3A_195 : vector<16xi32>
    %gather3A_197 = tpu.vector_load_idx %arg14[%add3A_196] : memref<32xi32, #tpu.memory_space<vmem>>[vector<16xi32>], vector<16xi32>,
    %add3A_198 = arith.addi %gather3A_197, %and3A_49 : vector<16xi32>
    %add3A_199 = arith.constant 8 : i32
    %add3A_200 = vector.broadcast %add3A_199 : i32 to vector<16xi32>
    %add3A_201 = arith.addi %add3A_198, %add3A_200 : vector<16xi32>
    %gather3A_202 = tpu.vector_load_idx %arg15[%add3A_196, %add3A_201] : memref<32x128xi32, #tpu.memory_space<vmem>>[vector<16xi32>, vector<16xi32>], vector<16xi32>,
    %swap3A_203 = arith.constant 16 : index
    %swap3A_204 = tpu.vector_load %arg20[%swap3A_203] {strides = array<i32>} : memref<256xi32, #tpu.memory_space<vmem>>, vector<16xi32>,
    tpu.vector_store %arg20[%swap3A_203], %gather3A_202 {strides = array<i32>} : memref<256xi32, #tpu.memory_space<vmem>>, vector<16xi32>,
    %add3A_205 = arith.constant 4 : i32
    %add3A_206 = vector.broadcast %add3A_205 : i32 to vector<16xi32>
    %add3A_207 = arith.addi %shift_right_logical3A_46, %add3A_206 : vector<16xi32>
    %gather3A_208 = tpu.vector_load_idx %arg14[%add3A_207] : memref<32xi32, #tpu.memory_space<vmem>>[vector<16xi32>], vector<16xi32>,
    %add3A_209 = arith.addi %gather3A_208, %and3A_49 : vector<16xi32>
    %add3A_210 = arith.constant 8 : i32
    %add3A_211 = vector.broadcast %add3A_210 : i32 to vector<16xi32>
    %add3A_212 = arith.addi %add3A_209, %add3A_211 : vector<16xi32>
    %gather3A_213 = tpu.vector_load_idx %arg15[%add3A_207, %add3A_212] : memref<32x128xi32, #tpu.memory_space<vmem>>[vector<16xi32>, vector<16xi32>], vector<16xi32>,
    %swap3A_214 = arith.constant 32 : index
    %swap3A_215 = tpu.vector_load %arg20[%swap3A_214] {strides = array<i32>} : memref<256xi32, #tpu.memory_space<vmem>>, vector<16xi32>,
    tpu.vector_store %arg20[%swap3A_214], %gather3A_213 {strides = array<i32>} : memref<256xi32, #tpu.memory_space<vmem>>, vector<16xi32>,
    %add3A_216 = arith.constant 6 : i32
    %add3A_217 = vector.broadcast %add3A_216 : i32 to vector<16xi32>
    %add3A_218 = arith.addi %shift_right_logical3A_46, %add3A_217 : vector<16xi32>
    %gather3A_219 = tpu.vector_load_idx %arg14[%add3A_218] : memref<32xi32, #tpu.memory_space<vmem>>[vector<16xi32>], vector<16xi32>,
    %add3A_220 = arith.addi %gather3A_219, %and3A_49 : vector<16xi32>
    %add3A_221 = arith.constant 8 : i32
    %add3A_222 = vector.broadcast %add3A_221 : i32 to vector<16xi32>
    %add3A_223 = arith.addi %add3A_220, %add3A_222 : vector<16xi32>
    %gather3A_224 = tpu.vector_load_idx %arg15[%add3A_218, %add3A_223] : memref<32x128xi32, #tpu.memory_space<vmem>>[vector<16xi32>, vector<16xi32>], vector<16xi32>,
    %swap3A_225 = arith.constant 48 : index
    %swap3A_226 = tpu.vector_load %arg20[%swap3A_225] {strides = array<i32>} : memref<256xi32, #tpu.memory_space<vmem>>, vector<16xi32>,
    tpu.vector_store %arg20[%swap3A_225], %gather3A_224 {strides = array<i32>} : memref<256xi32, #tpu.memory_space<vmem>>, vector<16xi32>,
    %add3A_227 = arith.constant 8 : i32
    %add3A_228 = vector.broadcast %add3A_227 : i32 to vector<16xi32>
    %add3A_229 = arith.addi %shift_right_logical3A_46, %add3A_228 : vector<16xi32>
    %gather3A_230 = tpu.vector_load_idx %arg14[%add3A_229] : memref<32xi32, #tpu.memory_space<vmem>>[vector<16xi32>], vector<16xi32>,
    %add3A_231 = arith.addi %gather3A_230, %and3A_49 : vector<16xi32>
    %add3A_232 = arith.constant 8 : i32
    %add3A_233 = vector.broadcast %add3A_232 : i32 to vector<16xi32>
    %add3A_234 = arith.addi %add3A_231, %add3A_233 : vector<16xi32>
    %gather3A_235 = tpu.vector_load_idx %arg15[%add3A_229, %add3A_234] : memref<32x128xi32, #tpu.memory_space<vmem>>[vector<16xi32>, vector<16xi32>], vector<16xi32>,
    %swap3A_236 = arith.constant 64 : index
    %swap3A_237 = tpu.vector_load %arg20[%swap3A_236] {strides = array<i32>} : memref<256xi32, #tpu.memory_space<vmem>>, vector<16xi32>,
    tpu.vector_store %arg20[%swap3A_236], %gather3A_235 {strides = array<i32>} : memref<256xi32, #tpu.memory_space<vmem>>, vector<16xi32>,
    %add3A_238 = arith.constant 10 : i32
    %add3A_239 = vector.broadcast %add3A_238 : i32 to vector<16xi32>
    %add3A_240 = arith.addi %shift_right_logical3A_46, %add3A_239 : vector<16xi32>
    %gather3A_241 = tpu.vector_load_idx %arg14[%add3A_240] : memref<32xi32, #tpu.memory_space<vmem>>[vector<16xi32>], vector<16xi32>,
    %add3A_242 = arith.addi %gather3A_241, %and3A_49 : vector<16xi32>
    %add3A_243 = arith.constant 8 : i32
    %add3A_244 = vector.broadcast %add3A_243 : i32 to vector<16xi32>
    %add3A_245 = arith.addi %add3A_242, %add3A_244 : vector<16xi32>
    %gather3A_246 = tpu.vector_load_idx %arg15[%add3A_240, %add3A_245] : memref<32x128xi32, #tpu.memory_space<vmem>>[vector<16xi32>, vector<16xi32>], vector<16xi32>,
    %swap3A_247 = arith.constant 80 : index
    %swap3A_248 = tpu.vector_load %arg20[%swap3A_247] {strides = array<i32>} : memref<256xi32, #tpu.memory_space<vmem>>, vector<16xi32>,
    tpu.vector_store %arg20[%swap3A_247], %gather3A_246 {strides = array<i32>} : memref<256xi32, #tpu.memory_space<vmem>>, vector<16xi32>,
    %add3A_249 = arith.constant 12 : i32
    %add3A_250 = vector.broadcast %add3A_249 : i32 to vector<16xi32>
    %add3A_251 = arith.addi %shift_right_logical3A_46, %add3A_250 : vector<16xi32>
    %gather3A_252 = tpu.vector_load_idx %arg14[%add3A_251] : memref<32xi32, #tpu.memory_space<vmem>>[vector<16xi32>], vector<16xi32>,
    %add3A_253 = arith.addi %gather3A_252, %and3A_49 : vector<16xi32>
    %add3A_254 = arith.constant 8 : i32
    %add3A_255 = vector.broadcast %add3A_254 : i32 to vector<16xi32>
    %add3A_256 = arith.addi %add3A_253, %add3A_255 : vector<16xi32>
    %gather3A_257 = tpu.vector_load_idx %arg15[%add3A_251, %add3A_256] : memref<32x128xi32, #tpu.memory_space<vmem>>[vector<16xi32>, vector<16xi32>], vector<16xi32>,
    %swap3A_258 = arith.constant 96 : index
    %swap3A_259 = tpu.vector_load %arg20[%swap3A_258] {strides = array<i32>} : memref<256xi32, #tpu.memory_space<vmem>>, vector<16xi32>,
    tpu.vector_store %arg20[%swap3A_258], %gather3A_257 {strides = array<i32>} : memref<256xi32, #tpu.memory_space<vmem>>, vector<16xi32>,
    %add3A_260 = arith.constant 14 : i32
    %add3A_261 = vector.broadcast %add3A_260 : i32 to vector<16xi32>
    %add3A_262 = arith.addi %shift_right_logical3A_46, %add3A_261 : vector<16xi32>
    %gather3A_263 = tpu.vector_load_idx %arg14[%add3A_262] : memref<32xi32, #tpu.memory_space<vmem>>[vector<16xi32>], vector<16xi32>,
    %add3A_264 = arith.addi %gather3A_263, %and3A_49 : vector<16xi32>
    %add3A_265 = arith.constant 8 : i32
    %add3A_266 = vector.broadcast %add3A_265 : i32 to vector<16xi32>
    %add3A_267 = arith.addi %add3A_264, %add3A_266 : vector<16xi32>
    %gather3A_268 = tpu.vector_load_idx %arg15[%add3A_262, %add3A_267] : memref<32x128xi32, #tpu.memory_space<vmem>>[vector<16xi32>, vector<16xi32>], vector<16xi32>,
    %swap3A_269 = arith.constant 112 : index
    %swap3A_270 = tpu.vector_load %arg20[%swap3A_269] {strides = array<i32>} : memref<256xi32, #tpu.memory_space<vmem>>, vector<16xi32>,
    tpu.vector_store %arg20[%swap3A_269], %gather3A_268 {strides = array<i32>} : memref<256xi32, #tpu.memory_space<vmem>>, vector<16xi32>,
    %add3A_271 = arith.constant 16 : i32
    %add3A_272 = vector.broadcast %add3A_271 : i32 to vector<16xi32>
    %add3A_273 = arith.addi %shift_right_logical3A_46, %add3A_272 : vector<16xi32>
    %gather3A_274 = tpu.vector_load_idx %arg14[%add3A_273] : memref<32xi32, #tpu.memory_space<vmem>>[vector<16xi32>], vector<16xi32>,
    %add3A_275 = arith.addi %gather3A_274, %and3A_49 : vector<16xi32>
    %add3A_276 = arith.constant 8 : i32
    %add3A_277 = vector.broadcast %add3A_276 : i32 to vector<16xi32>
    %add3A_278 = arith.addi %add3A_275, %add3A_277 : vector<16xi32>
    %gather3A_279 = tpu.vector_load_idx %arg15[%add3A_273, %add3A_278] : memref<32x128xi32, #tpu.memory_space<vmem>>[vector<16xi32>, vector<16xi32>], vector<16xi32>,
    %swap3A_280 = arith.constant 128 : index
    %swap3A_281 = tpu.vector_load %arg20[%swap3A_280] {strides = array<i32>} : memref<256xi32, #tpu.memory_space<vmem>>, vector<16xi32>,
    tpu.vector_store %arg20[%swap3A_280], %gather3A_279 {strides = array<i32>} : memref<256xi32, #tpu.memory_space<vmem>>, vector<16xi32>,
    %add3A_282 = arith.constant 18 : i32
    %add3A_283 = vector.broadcast %add3A_282 : i32 to vector<16xi32>
    %add3A_284 = arith.addi %shift_right_logical3A_46, %add3A_283 : vector<16xi32>
    %gather3A_285 = tpu.vector_load_idx %arg14[%add3A_284] : memref<32xi32, #tpu.memory_space<vmem>>[vector<16xi32>], vector<16xi32>,
    %add3A_286 = arith.addi %gather3A_285, %and3A_49 : vector<16xi32>
    %add3A_287 = arith.constant 8 : i32
    %add3A_288 = vector.broadcast %add3A_287 : i32 to vector<16xi32>
    %add3A_289 = arith.addi %add3A_286, %add3A_288 : vector<16xi32>
    %gather3A_290 = tpu.vector_load_idx %arg15[%add3A_284, %add3A_289] : memref<32x128xi32, #tpu.memory_space<vmem>>[vector<16xi32>, vector<16xi32>], vector<16xi32>,
    %swap3A_291 = arith.constant 144 : index
    %swap3A_292 = tpu.vector_load %arg20[%swap3A_291] {strides = array<i32>} : memref<256xi32, #tpu.memory_space<vmem>>, vector<16xi32>,
    tpu.vector_store %arg20[%swap3A_291], %gather3A_290 {strides = array<i32>} : memref<256xi32, #tpu.memory_space<vmem>>, vector<16xi32>,
    %add3A_293 = arith.constant 20 : i32
    %add3A_294 = vector.broadcast %add3A_293 : i32 to vector<16xi32>
    %add3A_295 = arith.addi %shift_right_logical3A_46, %add3A_294 : vector<16xi32>
    %gather3A_296 = tpu.vector_load_idx %arg14[%add3A_295] : memref<32xi32, #tpu.memory_space<vmem>>[vector<16xi32>], vector<16xi32>,
    %add3A_297 = arith.addi %gather3A_296, %and3A_49 : vector<16xi32>
    %add3A_298 = arith.constant 8 : i32
    %add3A_299 = vector.broadcast %add3A_298 : i32 to vector<16xi32>
    %add3A_300 = arith.addi %add3A_297, %add3A_299 : vector<16xi32>
    %gather3A_301 = tpu.vector_load_idx %arg15[%add3A_295, %add3A_300] : memref<32x128xi32, #tpu.memory_space<vmem>>[vector<16xi32>, vector<16xi32>], vector<16xi32>,
    %swap3A_302 = arith.constant 160 : index
    %swap3A_303 = tpu.vector_load %arg20[%swap3A_302] {strides = array<i32>} : memref<256xi32, #tpu.memory_space<vmem>>, vector<16xi32>,
    tpu.vector_store %arg20[%swap3A_302], %gather3A_301 {strides = array<i32>} : memref<256xi32, #tpu.memory_space<vmem>>, vector<16xi32>,
    %add3A_304 = arith.constant 22 : i32
    %add3A_305 = vector.broadcast %add3A_304 : i32 to vector<16xi32>
    %add3A_306 = arith.addi %shift_right_logical3A_46, %add3A_305 : vector<16xi32>
    %gather3A_307 = tpu.vector_load_idx %arg14[%add3A_306] : memref<32xi32, #tpu.memory_space<vmem>>[vector<16xi32>], vector<16xi32>,
    %add3A_308 = arith.addi %gather3A_307, %and3A_49 : vector<16xi32>
    %add3A_309 = arith.constant 8 : i32
    %add3A_310 = vector.broadcast %add3A_309 : i32 to vector<16xi32>
    %add3A_311 = arith.addi %add3A_308, %add3A_310 : vector<16xi32>
    %gather3A_312 = tpu.vector_load_idx %arg15[%add3A_306, %add3A_311] : memref<32x128xi32, #tpu.memory_space<vmem>>[vector<16xi32>, vector<16xi32>], vector<16xi32>,
    %swap3A_313 = arith.constant 176 : index
    %swap3A_314 = tpu.vector_load %arg20[%swap3A_313] {strides = array<i32>} : memref<256xi32, #tpu.memory_space<vmem>>, vector<16xi32>,
    tpu.vector_store %arg20[%swap3A_313], %gather3A_312 {strides = array<i32>} : memref<256xi32, #tpu.memory_space<vmem>>, vector<16xi32>,
    %add3A_315 = arith.constant 24 : i32
    %add3A_316 = vector.broadcast %add3A_315 : i32 to vector<16xi32>
    %add3A_317 = arith.addi %shift_right_logical3A_46, %add3A_316 : vector<16xi32>
    %gather3A_318 = tpu.vector_load_idx %arg14[%add3A_317] : memref<32xi32, #tpu.memory_space<vmem>>[vector<16xi32>], vector<16xi32>,
    %add3A_319 = arith.addi %gather3A_318, %and3A_49 : vector<16xi32>
    %add3A_320 = arith.constant 8 : i32
    %add3A_321 = vector.broadcast %add3A_320 : i32 to vector<16xi32>
    %add3A_322 = arith.addi %add3A_319, %add3A_321 : vector<16xi32>
    %gather3A_323 = tpu.vector_load_idx %arg15[%add3A_317, %add3A_322] : memref<32x128xi32, #tpu.memory_space<vmem>>[vector<16xi32>, vector<16xi32>], vector<16xi32>,
    %swap3A_324 = arith.constant 192 : index
    %swap3A_325 = tpu.vector_load %arg20[%swap3A_324] {strides = array<i32>} : memref<256xi32, #tpu.memory_space<vmem>>, vector<16xi32>,
    tpu.vector_store %arg20[%swap3A_324], %gather3A_323 {strides = array<i32>} : memref<256xi32, #tpu.memory_space<vmem>>, vector<16xi32>,
    %add3A_326 = arith.constant 26 : i32
    %add3A_327 = vector.broadcast %add3A_326 : i32 to vector<16xi32>
    %add3A_328 = arith.addi %shift_right_logical3A_46, %add3A_327 : vector<16xi32>
    %gather3A_329 = tpu.vector_load_idx %arg14[%add3A_328] : memref<32xi32, #tpu.memory_space<vmem>>[vector<16xi32>], vector<16xi32>,
    %add3A_330 = arith.addi %gather3A_329, %and3A_49 : vector<16xi32>
    %add3A_331 = arith.constant 8 : i32
    %add3A_332 = vector.broadcast %add3A_331 : i32 to vector<16xi32>
    %add3A_333 = arith.addi %add3A_330, %add3A_332 : vector<16xi32>
    %gather3A_334 = tpu.vector_load_idx %arg15[%add3A_328, %add3A_333] : memref<32x128xi32, #tpu.memory_space<vmem>>[vector<16xi32>, vector<16xi32>], vector<16xi32>,
    %swap3A_335 = arith.constant 208 : index
    %swap3A_336 = tpu.vector_load %arg20[%swap3A_335] {strides = array<i32>} : memref<256xi32, #tpu.memory_space<vmem>>, vector<16xi32>,
    tpu.vector_store %arg20[%swap3A_335], %gather3A_334 {strides = array<i32>} : memref<256xi32, #tpu.memory_space<vmem>>, vector<16xi32>,
    %add3A_337 = arith.constant 28 : i32
    %add3A_338 = vector.broadcast %add3A_337 : i32 to vector<16xi32>
    %add3A_339 = arith.addi %shift_right_logical3A_46, %add3A_338 : vector<16xi32>
    %gather3A_340 = tpu.vector_load_idx %arg14[%add3A_339] : memref<32xi32, #tpu.memory_space<vmem>>[vector<16xi32>], vector<16xi32>,
    %add3A_341 = arith.addi %gather3A_340, %and3A_49 : vector<16xi32>
    %add3A_342 = arith.constant 8 : i32
    %add3A_343 = vector.broadcast %add3A_342 : i32 to vector<16xi32>
    %add3A_344 = arith.addi %add3A_341, %add3A_343 : vector<16xi32>
    %gather3A_345 = tpu.vector_load_idx %arg15[%add3A_339, %add3A_344] : memref<32x128xi32, #tpu.memory_space<vmem>>[vector<16xi32>, vector<16xi32>], vector<16xi32>,
    %swap3A_346 = arith.constant 224 : index
    %swap3A_347 = tpu.vector_load %arg20[%swap3A_346] {strides = array<i32>} : memref<256xi32, #tpu.memory_space<vmem>>, vector<16xi32>,
    tpu.vector_store %arg20[%swap3A_346], %gather3A_345 {strides = array<i32>} : memref<256xi32, #tpu.memory_space<vmem>>, vector<16xi32>,
    %add3A_348 = arith.constant 30 : i32
    %add3A_349 = vector.broadcast %add3A_348 : i32 to vector<16xi32>
    %add3A_350 = arith.addi %shift_right_logical3A_46, %add3A_349 : vector<16xi32>
    %gather3A_351 = tpu.vector_load_idx %arg14[%add3A_350] : memref<32xi32, #tpu.memory_space<vmem>>[vector<16xi32>], vector<16xi32>,
    %add3A_352 = arith.addi %gather3A_351, %and3A_49 : vector<16xi32>
    %add3A_353 = arith.constant 8 : i32
    %add3A_354 = vector.broadcast %add3A_353 : i32 to vector<16xi32>
    %add3A_355 = arith.addi %add3A_352, %add3A_354 : vector<16xi32>
    %gather3A_356 = tpu.vector_load_idx %arg15[%add3A_350, %add3A_355] : memref<32x128xi32, #tpu.memory_space<vmem>>[vector<16xi32>, vector<16xi32>], vector<16xi32>,
    %swap3A_357 = arith.constant 240 : index
    %swap3A_358 = tpu.vector_load %arg20[%swap3A_357] {strides = array<i32>} : memref<256xi32, #tpu.memory_space<vmem>>, vector<16xi32>,
    tpu.vector_store %arg20[%swap3A_357], %gather3A_356 {strides = array<i32>} : memref<256xi32, #tpu.memory_space<vmem>>, vector<16xi32>,
    %mul3A_359 = arith.constant 256 : i32
    %mul3A_360 = arith.muli %add3A, %mul3A_359 : i32
    %dma_start3A_361 = tpu.memref_slice %arg9[%mul3A_360] : memref<8192xi32, #tpu.memory_space<hbm>> -> memref<256xi32, #tpu.memory_space<hbm>>
    %dma_start3A_362 = tpu.memref_slice %arg9[%mul3A_360] : memref<8192xi32, #tpu.memory_space<hbm>> -> memref<256xi32, #tpu.memory_space<hbm>>
    tpu.enqueue_dma source(%arg20 : memref<256xi32, #tpu.memory_space<vmem>>) target(%dma_start3A_362 : memref<256xi32, #tpu.memory_space<hbm>>) target_semaphore(%arg31 : memref<!tpu.dma_semaphore, #tpu.memory_space<semaphore_mem>>)
    %dma_wait3A_363 = arith.constant 0 : i32
    %dma_wait3A_364 = arith.constant 0 : i32
    %dma_wait3A_365 = tpu.memref_slice %arg21[%dma_wait3A_363, %dma_wait3A_364] : memref<64x512xf32, #tpu.memory_space<vmem>> -> memref<32x512xf32, #tpu.memory_space<vmem>>
    %dma_wait3A_366 = arith.constant 0 : i32
    %dma_wait3A_367 = arith.constant 0 : i32
    %dma_wait3A_368 = tpu.memref_slice %arg5[%dma_wait3A_366, %dma_wait3A_367] : memref<1000x512xf32, #tpu.memory_space<hbm>> -> memref<1000x512xf32, #tpu.memory_space<hbm>>
    tpu.wait_indirect_dma semaphore(%arg25 : memref<!tpu.dma_semaphore, #tpu.memory_space<semaphore_mem>>) src(%dma_wait3A_368 : memref<1000x512xf32, #tpu.memory_space<hbm>>) dst(%dma_wait3A_365 : memref<32x512xf32, #tpu.memory_space<vmem>>)
    %dma_wait3A_369 = arith.constant 32 : i32
    %dma_wait3A_370 = arith.constant 0 : i32
    %dma_wait3A_371 = tpu.memref_slice %arg21[%dma_wait3A_369, %dma_wait3A_370] : memref<64x512xf32, #tpu.memory_space<vmem>> -> memref<32x512xf32, #tpu.memory_space<vmem>>
    %dma_wait3A_372 = arith.constant 0 : i32
    %dma_wait3A_373 = arith.constant 0 : i32
    %dma_wait3A_374 = tpu.memref_slice %arg6[%dma_wait3A_372, %dma_wait3A_373] : memref<50000x512xf32, #tpu.memory_space<hbm>> -> memref<50000x512xf32, #tpu.memory_space<hbm>>
    tpu.wait_indirect_dma semaphore(%arg25 : memref<!tpu.dma_semaphore, #tpu.memory_space<semaphore_mem>>) src(%dma_wait3A_374 : memref<50000x512xf32, #tpu.memory_space<hbm>>) dst(%dma_wait3A_371 : memref<32x512xf32, #tpu.memory_space<vmem>>)
    %dma_start3A_375 = arith.constant 0 : i32
    %dma_start3A_376 = arith.constant 0 : i32
    %dma_start3A_377 = tpu.memref_slice %arg21[%dma_start3A_375, %dma_start3A_376] : memref<64x512xf32, #tpu.memory_space<vmem>> -> memref<32x512xf32, #tpu.memory_space<vmem>>
    %dma_start3A_378 = arith.constant 0 : i32
    %dma_start3A_379 = tpu.memref_slice %arg7[%mul3A_2, %dma_start3A_378] : memref<1024x512xf32, #tpu.memory_space<hbm>> -> memref<32x512xf32, #tpu.memory_space<hbm>>
    %dma_start3A_380 = arith.constant 0 : i32
    %dma_start3A_381 = tpu.memref_slice %arg7[%mul3A_2, %dma_start3A_380] : memref<1024x512xf32, #tpu.memory_space<hbm>> -> memref<32x512xf32, #tpu.memory_space<hbm>>
    %dma_start3A_382 = arith.constant 0 : i32
    %dma_start3A_383 = arith.constant 0 : i32
    %dma_start3A_384 = tpu.memref_slice %arg21[%dma_start3A_382, %dma_start3A_383] : memref<64x512xf32, #tpu.memory_space<vmem>> -> memref<32x512xf32, #tpu.memory_space<vmem>>
    tpu.enqueue_dma source(%dma_start3A_384 : memref<32x512xf32, #tpu.memory_space<vmem>>) target(%dma_start3A_381 : memref<32x512xf32, #tpu.memory_space<hbm>>) target_semaphore(%arg28 : memref<!tpu.dma_semaphore, #tpu.memory_space<semaphore_mem>>)
    %dma_start3A_385 = arith.constant 32 : i32
    %dma_start3A_386 = arith.constant 0 : i32
    %dma_start3A_387 = tpu.memref_slice %arg21[%dma_start3A_385, %dma_start3A_386] : memref<64x512xf32, #tpu.memory_space<vmem>> -> memref<32x512xf32, #tpu.memory_space<vmem>>
    %dma_start3A_388 = arith.constant 0 : i32
    %dma_start3A_389 = tpu.memref_slice %arg8[%mul3A_2, %dma_start3A_388] : memref<1024x512xf32, #tpu.memory_space<hbm>> -> memref<32x512xf32, #tpu.memory_space<hbm>>
    %dma_start3A_390 = arith.constant 0 : i32
    %dma_start3A_391 = tpu.memref_slice %arg8[%mul3A_2, %dma_start3A_390] : memref<1024x512xf32, #tpu.memory_space<hbm>> -> memref<32x512xf32, #tpu.memory_space<hbm>>
    %dma_start3A_392 = arith.constant 32 : i32
    %dma_start3A_393 = arith.constant 0 : i32
    %dma_start3A_394 = tpu.memref_slice %arg21[%dma_start3A_392, %dma_start3A_393] : memref<64x512xf32, #tpu.memory_space<vmem>> -> memref<32x512xf32, #tpu.memory_space<vmem>>
    tpu.enqueue_dma source(%dma_start3A_394 : memref<32x512xf32, #tpu.memory_space<vmem>>) target(%dma_start3A_391 : memref<32x512xf32, #tpu.memory_space<hbm>>) target_semaphore(%arg28 : memref<!tpu.dma_semaphore, #tpu.memory_space<semaphore_mem>>)
    %mul3A_395 = arith.constant 8 : i32
    %mul3A_396 = arith.muli %mul3A_2, %mul3A_395 : i32
    %dma_wait3A_397 = arith.constant 0 : i32
    %dma_wait3A_398 = arith.constant 0 : i32
    %dma_wait3A_399 = tpu.memref_slice %arg6[%dma_wait3A_397, %dma_wait3A_398] : memref<50000x512xf32, #tpu.memory_space<hbm>> -> memref<50000x512xf32, #tpu.memory_space<hbm>>
    tpu.wait_indirect_dma semaphore(%arg26 : memref<!tpu.dma_semaphore, #tpu.memory_space<semaphore_mem>>) src(%dma_wait3A_399 : memref<50000x512xf32, #tpu.memory_space<hbm>>) dst(%arg22 : memref<64x512xf32, #tpu.memory_space<vmem>>)
    %add3A_400 = arith.constant 0 : i32
    %add3A_401 = arith.addi %mul3A_396, %add3A_400 : i32
    %dma_start3A_402 = arith.constant 0 : i32
    %dma_start3A_403 = tpu.memref_slice %arg10[%add3A_401, %dma_start3A_402] : memref<8192x512xf32, #tpu.memory_space<hbm>> -> memref<64x512xf32, #tpu.memory_space<hbm>>
    %dma_start3A_404 = arith.constant 0 : i32
    %dma_start3A_405 = tpu.memref_slice %arg10[%add3A_401, %dma_start3A_404] : memref<8192x512xf32, #tpu.memory_space<hbm>> -> memref<64x512xf32, #tpu.memory_space<hbm>>
    tpu.enqueue_dma source(%arg22 : memref<64x512xf32, #tpu.memory_space<vmem>>) target(%dma_start3A_405 : memref<64x512xf32, #tpu.memory_space<hbm>>) target_semaphore(%arg29 : memref<!tpu.dma_semaphore, #tpu.memory_space<semaphore_mem>>)
    %dma_wait3A_406 = arith.constant 0 : i32
    %dma_wait3A_407 = arith.constant 0 : i32
    %dma_wait3A_408 = tpu.memref_slice %arg6[%dma_wait3A_406, %dma_wait3A_407] : memref<50000x512xf32, #tpu.memory_space<hbm>> -> memref<50000x512xf32, #tpu.memory_space<hbm>>
    tpu.wait_indirect_dma semaphore(%arg27 : memref<!tpu.dma_semaphore, #tpu.memory_space<semaphore_mem>>) src(%dma_wait3A_408 : memref<50000x512xf32, #tpu.memory_space<hbm>>) dst(%arg23 : memref<64x512xf32, #tpu.memory_space<vmem>>)
    %add3A_409 = arith.constant 64 : i32
    %add3A_410 = arith.addi %mul3A_396, %add3A_409 : i32
    %dma_start3A_411 = arith.constant 0 : i32
    %dma_start3A_412 = tpu.memref_slice %arg10[%add3A_410, %dma_start3A_411] : memref<8192x512xf32, #tpu.memory_space<hbm>> -> memref<64x512xf32, #tpu.memory_space<hbm>>
    %dma_start3A_413 = arith.constant 0 : i32
    %dma_start3A_414 = tpu.memref_slice %arg10[%add3A_410, %dma_start3A_413] : memref<8192x512xf32, #tpu.memory_space<hbm>> -> memref<64x512xf32, #tpu.memory_space<hbm>>
    tpu.enqueue_dma source(%arg23 : memref<64x512xf32, #tpu.memory_space<vmem>>) target(%dma_start3A_414 : memref<64x512xf32, #tpu.memory_space<hbm>>) target_semaphore(%arg30 : memref<!tpu.dma_semaphore, #tpu.memory_space<semaphore_mem>>)
    %dma_wait3A_415 = arith.constant 0 : i32
    %dma_wait3A_416 = arith.constant 0 : i32
    %dma_wait3A_417 = tpu.memref_slice %arg21[%dma_wait3A_415, %dma_wait3A_416] : memref<64x512xf32, #tpu.memory_space<vmem>> -> memref<32x512xf32, #tpu.memory_space<vmem>>
    %dma_wait3A_418 = arith.constant 0 : i32
    %dma_wait3A_419 = tpu.memref_slice %arg7[%mul3A_2, %dma_wait3A_418] : memref<1024x512xf32, #tpu.memory_space<hbm>> -> memref<32x512xf32, #tpu.memory_space<hbm>>
    %dma_wait3A_420 = arith.constant 0 : i32
    %dma_wait3A_421 = tpu.memref_slice %arg7[%mul3A_2, %dma_wait3A_420] : memref<1024x512xf32, #tpu.memory_space<hbm>> -> memref<32x512xf32, #tpu.memory_space<hbm>>
    %dma_wait3A_422 = arith.constant 0 : i32
    %dma_wait3A_423 = arith.constant 0 : i32
    %dma_wait3A_424 = tpu.memref_slice %arg21[%dma_wait3A_422, %dma_wait3A_423] : memref<64x512xf32, #tpu.memory_space<vmem>> -> memref<32x512xf32, #tpu.memory_space<vmem>>
    tpu.wait_dma2 semaphore(%arg28 : memref<!tpu.dma_semaphore, #tpu.memory_space<semaphore_mem>>) src(%dma_wait3A_424 : memref<32x512xf32, #tpu.memory_space<vmem>>) dst(%dma_wait3A_421 : memref<32x512xf32, #tpu.memory_space<hbm>>)
    %dma_wait3A_425 = arith.constant 32 : i32
    %dma_wait3A_426 = arith.constant 0 : i32
    %dma_wait3A_427 = tpu.memref_slice %arg21[%dma_wait3A_425, %dma_wait3A_426] : memref<64x512xf32, #tpu.memory_space<vmem>> -> memref<32x512xf32, #tpu.memory_space<vmem>>
    %dma_wait3A_428 = arith.constant 0 : i32
    %dma_wait3A_429 = tpu.memref_slice %arg8[%mul3A_2, %dma_wait3A_428] : memref<1024x512xf32, #tpu.memory_space<hbm>> -> memref<32x512xf32, #tpu.memory_space<hbm>>
    %dma_wait3A_430 = arith.constant 0 : i32
    %dma_wait3A_431 = tpu.memref_slice %arg8[%mul3A_2, %dma_wait3A_430] : memref<1024x512xf32, #tpu.memory_space<hbm>> -> memref<32x512xf32, #tpu.memory_space<hbm>>
    %dma_wait3A_432 = arith.constant 32 : i32
    %dma_wait3A_433 = arith.constant 0 : i32
    %dma_wait3A_434 = tpu.memref_slice %arg21[%dma_wait3A_432, %dma_wait3A_433] : memref<64x512xf32, #tpu.memory_space<vmem>> -> memref<32x512xf32, #tpu.memory_space<vmem>>
    tpu.wait_dma2 semaphore(%arg28 : memref<!tpu.dma_semaphore, #tpu.memory_space<semaphore_mem>>) src(%dma_wait3A_434 : memref<32x512xf32, #tpu.memory_space<vmem>>) dst(%dma_wait3A_431 : memref<32x512xf32, #tpu.memory_space<hbm>>)
    %dma_start3A_435 = arith.constant 0 : i32
    %dma_start3A_436 = arith.constant 0 : i32
    %dma_start3A_437 = tpu.memref_slice %arg6[%dma_start3A_435, %dma_start3A_436] : memref<50000x512xf32, #tpu.memory_space<hbm>> -> memref<50000x512xf32, #tpu.memory_space<hbm>>
    tpu.enqueue_indirect_dma source(%dma_start3A_437 : memref<50000x512xf32, #tpu.memory_space<hbm>>) target(%arg21 : memref<64x512xf32, #tpu.memory_space<vmem>>) offsets(%arg18 : memref<64xi32, #tpu.memory_space<vmem>>) semaphore(%arg25 : memref<!tpu.dma_semaphore, #tpu.memory_space<semaphore_mem>>)
    %dma_wait3A_438 = arith.constant 0 : i32
    %dma_wait3A_439 = arith.constant 0 : i32
    %dma_wait3A_440 = tpu.memref_slice %arg6[%dma_wait3A_438, %dma_wait3A_439] : memref<50000x512xf32, #tpu.memory_space<hbm>> -> memref<50000x512xf32, #tpu.memory_space<hbm>>
    tpu.wait_indirect_dma semaphore(%arg25 : memref<!tpu.dma_semaphore, #tpu.memory_space<semaphore_mem>>) src(%dma_wait3A_440 : memref<50000x512xf32, #tpu.memory_space<hbm>>) dst(%arg21 : memref<64x512xf32, #tpu.memory_space<vmem>>)
    %add3A_441 = arith.constant 128 : i32
    %add3A_442 = arith.addi %mul3A_396, %add3A_441 : i32
    %dma_start3A_443 = arith.constant 0 : i32
    %dma_start3A_444 = tpu.memref_slice %arg10[%add3A_442, %dma_start3A_443] : memref<8192x512xf32, #tpu.memory_space<hbm>> -> memref<64x512xf32, #tpu.memory_space<hbm>>
    %dma_start3A_445 = arith.constant 0 : i32
    %dma_start3A_446 = tpu.memref_slice %arg10[%add3A_442, %dma_start3A_445] : memref<8192x512xf32, #tpu.memory_space<hbm>> -> memref<64x512xf32, #tpu.memory_space<hbm>>
    tpu.enqueue_dma source(%arg21 : memref<64x512xf32, #tpu.memory_space<vmem>>) target(%dma_start3A_446 : memref<64x512xf32, #tpu.memory_space<hbm>>) target_semaphore(%arg28 : memref<!tpu.dma_semaphore, #tpu.memory_space<semaphore_mem>>)
    %dma_wait3A_447 = arith.constant 0 : i32
    %dma_wait3A_448 = tpu.memref_slice %arg10[%add3A_401, %dma_wait3A_447] : memref<8192x512xf32, #tpu.memory_space<hbm>> -> memref<64x512xf32, #tpu.memory_space<hbm>>
    %dma_wait3A_449 = arith.constant 0 : i32
    %dma_wait3A_450 = tpu.memref_slice %arg10[%add3A_401, %dma_wait3A_449] : memref<8192x512xf32, #tpu.memory_space<hbm>> -> memref<64x512xf32, #tpu.memory_space<hbm>>
    tpu.wait_dma2 semaphore(%arg29 : memref<!tpu.dma_semaphore, #tpu.memory_space<semaphore_mem>>) src(%arg22 : memref<64x512xf32, #tpu.memory_space<vmem>>) dst(%dma_wait3A_450 : memref<64x512xf32, #tpu.memory_space<hbm>>)
    %dma_start3A_451 = arith.constant 0 : i32
    %dma_start3A_452 = arith.constant 0 : i32
    %dma_start3A_453 = tpu.memref_slice %arg6[%dma_start3A_451, %dma_start3A_452] : memref<50000x512xf32, #tpu.memory_space<hbm>> -> memref<50000x512xf32, #tpu.memory_space<hbm>>
    tpu.enqueue_indirect_dma source(%dma_start3A_453 : memref<50000x512xf32, #tpu.memory_space<hbm>>) target(%arg22 : memref<64x512xf32, #tpu.memory_space<vmem>>) offsets(%arg19 : memref<64xi32, #tpu.memory_space<vmem>>) semaphore(%arg26 : memref<!tpu.dma_semaphore, #tpu.memory_space<semaphore_mem>>)
    %dma_wait3A_454 = arith.constant 0 : i32
    %dma_wait3A_455 = arith.constant 0 : i32
    %dma_wait3A_456 = tpu.memref_slice %arg6[%dma_wait3A_454, %dma_wait3A_455] : memref<50000x512xf32, #tpu.memory_space<hbm>> -> memref<50000x512xf32, #tpu.memory_space<hbm>>
    tpu.wait_indirect_dma semaphore(%arg26 : memref<!tpu.dma_semaphore, #tpu.memory_space<semaphore_mem>>) src(%dma_wait3A_456 : memref<50000x512xf32, #tpu.memory_space<hbm>>) dst(%arg22 : memref<64x512xf32, #tpu.memory_space<vmem>>)
    %add3A_457 = arith.constant 192 : i32
    %add3A_458 = arith.addi %mul3A_396, %add3A_457 : i32
    %dma_start3A_459 = arith.constant 0 : i32
    %dma_start3A_460 = tpu.memref_slice %arg10[%add3A_458, %dma_start3A_459] : memref<8192x512xf32, #tpu.memory_space<hbm>> -> memref<64x512xf32, #tpu.memory_space<hbm>>
    %dma_start3A_461 = arith.constant 0 : i32
    %dma_start3A_462 = tpu.memref_slice %arg10[%add3A_458, %dma_start3A_461] : memref<8192x512xf32, #tpu.memory_space<hbm>> -> memref<64x512xf32, #tpu.memory_space<hbm>>
    tpu.enqueue_dma source(%arg22 : memref<64x512xf32, #tpu.memory_space<vmem>>) target(%dma_start3A_462 : memref<64x512xf32, #tpu.memory_space<hbm>>) target_semaphore(%arg29 : memref<!tpu.dma_semaphore, #tpu.memory_space<semaphore_mem>>)
    %dma_wait3A_463 = arith.constant 0 : i32
    %dma_wait3A_464 = tpu.memref_slice %arg10[%add3A_410, %dma_wait3A_463] : memref<8192x512xf32, #tpu.memory_space<hbm>> -> memref<64x512xf32, #tpu.memory_space<hbm>>
    %dma_wait3A_465 = arith.constant 0 : i32
    %dma_wait3A_466 = tpu.memref_slice %arg10[%add3A_410, %dma_wait3A_465] : memref<8192x512xf32, #tpu.memory_space<hbm>> -> memref<64x512xf32, #tpu.memory_space<hbm>>
    tpu.wait_dma2 semaphore(%arg30 : memref<!tpu.dma_semaphore, #tpu.memory_space<semaphore_mem>>) src(%arg23 : memref<64x512xf32, #tpu.memory_space<vmem>>) dst(%dma_wait3A_466 : memref<64x512xf32, #tpu.memory_space<hbm>>)
    %dma_wait3A_467 = arith.constant 0 : i32
    %dma_wait3A_468 = tpu.memref_slice %arg10[%add3A_442, %dma_wait3A_467] : memref<8192x512xf32, #tpu.memory_space<hbm>> -> memref<64x512xf32, #tpu.memory_space<hbm>>
    %dma_wait3A_469 = arith.constant 0 : i32
    %dma_wait3A_470 = tpu.memref_slice %arg10[%add3A_442, %dma_wait3A_469] : memref<8192x512xf32, #tpu.memory_space<hbm>> -> memref<64x512xf32, #tpu.memory_space<hbm>>
    tpu.wait_dma2 semaphore(%arg28 : memref<!tpu.dma_semaphore, #tpu.memory_space<semaphore_mem>>) src(%arg21 : memref<64x512xf32, #tpu.memory_space<vmem>>) dst(%dma_wait3A_470 : memref<64x512xf32, #tpu.memory_space<hbm>>)
    %dma_wait3A_471 = arith.constant 0 : i32
    %dma_wait3A_472 = tpu.memref_slice %arg10[%add3A_458, %dma_wait3A_471] : memref<8192x512xf32, #tpu.memory_space<hbm>> -> memref<64x512xf32, #tpu.memory_space<hbm>>
    %dma_wait3A_473 = arith.constant 0 : i32
    %dma_wait3A_474 = tpu.memref_slice %arg10[%add3A_458, %dma_wait3A_473] : memref<8192x512xf32, #tpu.memory_space<hbm>> -> memref<64x512xf32, #tpu.memory_space<hbm>>
    tpu.wait_dma2 semaphore(%arg29 : memref<!tpu.dma_semaphore, #tpu.memory_space<semaphore_mem>>) src(%arg22 : memref<64x512xf32, #tpu.memory_space<vmem>>) dst(%dma_wait3A_474 : memref<64x512xf32, #tpu.memory_space<hbm>>)
    %dma_wait3A_475 = tpu.memref_slice %arg9[%mul3A_360] : memref<8192xi32, #tpu.memory_space<hbm>> -> memref<256xi32, #tpu.memory_space<hbm>>
    %dma_wait3A_476 = tpu.memref_slice %arg9[%mul3A_360] : memref<8192xi32, #tpu.memory_space<hbm>> -> memref<256xi32, #tpu.memory_space<hbm>>
    tpu.wait_dma2 semaphore(%arg31 : memref<!tpu.dma_semaphore, #tpu.memory_space<semaphore_mem>>) src(%arg20 : memref<256xi32, #tpu.memory_space<vmem>>) dst(%dma_wait3A_476 : memref<256xi32, #tpu.memory_space<hbm>>)
    return
  }
}

module attributes {stable_mosaic.version = 14 : i64} {
  func.func @body(%arg0: i32, %arg1: memref<256x512xf32, #tpu.memory_space<vmem>>, %arg2: memref<256x512xf32, #tpu.memory_space<vmem>>, %arg3: memref<256x4096xf32, #tpu.memory_space<vmem>>, %arg4: memref<256x8xi32, #tpu.memory_space<vmem>>, %arg5: memref<512x64xf32, #tpu.memory_space<vmem>>, %arg6: memref<512x512xf32, #tpu.memory_space<vmem>>, %arg7: memref<16x256xf32, #tpu.memory_space<vmem>>, %arg8: memref<16x512xf32, #tpu.memory_space<vmem>>, %arg9: memref<16x512xf32, #tpu.memory_space<vmem>>) attributes {dimension_semantics = [#tpu.dimension_semantics<arbitrary>], iteration_bounds = array<i64: 4>, scalar_prefetch = 0 : i64, scratch_operands = 0 : i64, tpu.core_type = #tpu.core_type<tc>, window_params = [{transform_indices = @transform_0, window_bounds = array<i64: 256, 512>}, {transform_indices = @transform_1, window_bounds = array<i64: 256, 512>}, {transform_indices = @transform_2, window_bounds = array<i64: 256, 4096>}, {transform_indices = @transform_3, window_bounds = array<i64: 256, 8>}, {pipeline_mode = #tpu.pipeline_mode<synchronous>, transform_indices = @transform_4, window_bounds = array<i64: 512, 64>}, {pipeline_mode = #tpu.pipeline_mode<synchronous>, transform_indices = @transform_5, window_bounds = array<i64: 512, 512>}, {transform_indices = @transform_6, window_bounds = array<i64: 16, 256>}, {pipeline_mode = #tpu.pipeline_mode<synchronous>, transform_indices = @transform_7, window_bounds = array<i64: 16, 512>}, {pipeline_mode = #tpu.pipeline_mode<synchronous>, transform_indices = @transform_8, window_bounds = array<i64: 16, 512>}]} {
    %get3A = arith.constant 0 : index
    %get3A_0 = arith.constant 0 : index
    %get3A_1 = vector.load %arg1[%get3A, %get3A_0] : memref<256x512xf32, #tpu.memory_space<vmem>>, vector<256x512xf32>
    %get3A_2 = arith.constant 0 : index
    %get3A_3 = arith.constant 0 : index
    %get3A_4 = vector.load %arg5[%get3A_2, %get3A_3] : memref<512x64xf32, #tpu.memory_space<vmem>>, vector<512x64xf32>
    %dot_general3A = arith.constant dense<0.000000e+00> : vector<256x64xf32>
    %dot_general3A_5 = tpu.matmul %get3A_1, %get3A_4, %dot_general3A {dimension_numbers = #tpu.dot_dimension_numbers<[1], [0], [0], [1], [0, 0, 1, 1], [], []>, transpose_lhs_hint = false} : vector<256x512xf32>, vector<512x64xf32>, vector<256x64xf32> -> vector<256x64xf32>
    %get3A_6 = arith.constant 0 : index
    %get3A_7 = arith.constant 0 : index
    %get3A_8 = vector.load %arg4[%get3A_6, %get3A_7] : memref<256x8xi32, #tpu.memory_space<vmem>>, vector<256x8xi32>
    %iota3A = tpu.iota {dimensions = array<i32: 1>} : vector<256x64xi32>
    %slice3A = vector.extract_strided_slice %get3A_8 {offsets = [0, 0], sizes = [256, 1], strides = [1, 1]} : vector<256x8xi32> to vector<256x1xi32>
    %eq3A = vector.broadcast %slice3A : vector<256x1xi32> to vector<256x64xi32>
    %eq3A_9 = arith.cmpi eq, %eq3A, %iota3A : vector<256x64xi32>
    %jit3A = arith.constant 0.000000e+00 : f32
    %broadcast_in_dim3A = vector.broadcast %jit3A : f32 to vector<256x64xf32>
    %select_n3A = arith.select %eq3A_9, %dot_general3A_5, %broadcast_in_dim3A : vector<256x64xi1>, vector<256x64xf32>
    %reduce_sum3A = arith.constant dense<0.000000e+00> : vector<256xf32>
    %reduce_sum3A_10 = vector.multi_reduction <add>, %select_n3A, %reduce_sum3A [1] : vector<256x64xf32> to vector<256xf32>
    %broadcast_in_dim3A_11 = vector.shape_cast %reduce_sum3A_10 : vector<256xf32> to vector<256x1xf32>
    %slice3A_12 = vector.extract_strided_slice %get3A_8 {offsets = [0, 1], sizes = [256, 1], strides = [1, 1]} : vector<256x8xi32> to vector<256x1xi32>
    %eq3A_13 = vector.broadcast %slice3A_12 : vector<256x1xi32> to vector<256x64xi32>
    %eq3A_14 = arith.cmpi eq, %eq3A_13, %iota3A : vector<256x64xi32>
    %jit3A_15 = arith.constant 0.000000e+00 : f32
    %broadcast_in_dim3A_16 = vector.broadcast %jit3A_15 : f32 to vector<256x64xf32>
    %select_n3A_17 = arith.select %eq3A_14, %dot_general3A_5, %broadcast_in_dim3A_16 : vector<256x64xi1>, vector<256x64xf32>
    %reduce_sum3A_18 = arith.constant dense<0.000000e+00> : vector<256xf32>
    %reduce_sum3A_19 = vector.multi_reduction <add>, %select_n3A_17, %reduce_sum3A_18 [1] : vector<256x64xf32> to vector<256xf32>
    %broadcast_in_dim3A_20 = vector.shape_cast %reduce_sum3A_19 : vector<256xf32> to vector<256x1xf32>
    %slice3A_21 = vector.extract_strided_slice %get3A_8 {offsets = [0, 2], sizes = [256, 1], strides = [1, 1]} : vector<256x8xi32> to vector<256x1xi32>
    %eq3A_22 = vector.broadcast %slice3A_21 : vector<256x1xi32> to vector<256x64xi32>
    %eq3A_23 = arith.cmpi eq, %eq3A_22, %iota3A : vector<256x64xi32>
    %jit3A_24 = arith.constant 0.000000e+00 : f32
    %broadcast_in_dim3A_25 = vector.broadcast %jit3A_24 : f32 to vector<256x64xf32>
    %select_n3A_26 = arith.select %eq3A_23, %dot_general3A_5, %broadcast_in_dim3A_25 : vector<256x64xi1>, vector<256x64xf32>
    %reduce_sum3A_27 = arith.constant dense<0.000000e+00> : vector<256xf32>
    %reduce_sum3A_28 = vector.multi_reduction <add>, %select_n3A_26, %reduce_sum3A_27 [1] : vector<256x64xf32> to vector<256xf32>
    %broadcast_in_dim3A_29 = vector.shape_cast %reduce_sum3A_28 : vector<256xf32> to vector<256x1xf32>
    %slice3A_30 = vector.extract_strided_slice %get3A_8 {offsets = [0, 3], sizes = [256, 1], strides = [1, 1]} : vector<256x8xi32> to vector<256x1xi32>
    %eq3A_31 = vector.broadcast %slice3A_30 : vector<256x1xi32> to vector<256x64xi32>
    %eq3A_32 = arith.cmpi eq, %eq3A_31, %iota3A : vector<256x64xi32>
    %jit3A_33 = arith.constant 0.000000e+00 : f32
    %broadcast_in_dim3A_34 = vector.broadcast %jit3A_33 : f32 to vector<256x64xf32>
    %select_n3A_35 = arith.select %eq3A_32, %dot_general3A_5, %broadcast_in_dim3A_34 : vector<256x64xi1>, vector<256x64xf32>
    %reduce_sum3A_36 = arith.constant dense<0.000000e+00> : vector<256xf32>
    %reduce_sum3A_37 = vector.multi_reduction <add>, %select_n3A_35, %reduce_sum3A_36 [1] : vector<256x64xf32> to vector<256xf32>
    %broadcast_in_dim3A_38 = vector.shape_cast %reduce_sum3A_37 : vector<256xf32> to vector<256x1xf32>
    %slice3A_39 = vector.extract_strided_slice %get3A_8 {offsets = [0, 4], sizes = [256, 1], strides = [1, 1]} : vector<256x8xi32> to vector<256x1xi32>
    %eq3A_40 = vector.broadcast %slice3A_39 : vector<256x1xi32> to vector<256x64xi32>
    %eq3A_41 = arith.cmpi eq, %eq3A_40, %iota3A : vector<256x64xi32>
    %jit3A_42 = arith.constant 0.000000e+00 : f32
    %broadcast_in_dim3A_43 = vector.broadcast %jit3A_42 : f32 to vector<256x64xf32>
    %select_n3A_44 = arith.select %eq3A_41, %dot_general3A_5, %broadcast_in_dim3A_43 : vector<256x64xi1>, vector<256x64xf32>
    %reduce_sum3A_45 = arith.constant dense<0.000000e+00> : vector<256xf32>
    %reduce_sum3A_46 = vector.multi_reduction <add>, %select_n3A_44, %reduce_sum3A_45 [1] : vector<256x64xf32> to vector<256xf32>
    %broadcast_in_dim3A_47 = vector.shape_cast %reduce_sum3A_46 : vector<256xf32> to vector<256x1xf32>
    %slice3A_48 = vector.extract_strided_slice %get3A_8 {offsets = [0, 5], sizes = [256, 1], strides = [1, 1]} : vector<256x8xi32> to vector<256x1xi32>
    %eq3A_49 = vector.broadcast %slice3A_48 : vector<256x1xi32> to vector<256x64xi32>
    %eq3A_50 = arith.cmpi eq, %eq3A_49, %iota3A : vector<256x64xi32>
    %jit3A_51 = arith.constant 0.000000e+00 : f32
    %broadcast_in_dim3A_52 = vector.broadcast %jit3A_51 : f32 to vector<256x64xf32>
    %select_n3A_53 = arith.select %eq3A_50, %dot_general3A_5, %broadcast_in_dim3A_52 : vector<256x64xi1>, vector<256x64xf32>
    %reduce_sum3A_54 = arith.constant dense<0.000000e+00> : vector<256xf32>
    %reduce_sum3A_55 = vector.multi_reduction <add>, %select_n3A_53, %reduce_sum3A_54 [1] : vector<256x64xf32> to vector<256xf32>
    %broadcast_in_dim3A_56 = vector.shape_cast %reduce_sum3A_55 : vector<256xf32> to vector<256x1xf32>
    %slice3A_57 = vector.extract_strided_slice %get3A_8 {offsets = [0, 6], sizes = [256, 1], strides = [1, 1]} : vector<256x8xi32> to vector<256x1xi32>
    %eq3A_58 = vector.broadcast %slice3A_57 : vector<256x1xi32> to vector<256x64xi32>
    %eq3A_59 = arith.cmpi eq, %eq3A_58, %iota3A : vector<256x64xi32>
    %jit3A_60 = arith.constant 0.000000e+00 : f32
    %broadcast_in_dim3A_61 = vector.broadcast %jit3A_60 : f32 to vector<256x64xf32>
    %select_n3A_62 = arith.select %eq3A_59, %dot_general3A_5, %broadcast_in_dim3A_61 : vector<256x64xi1>, vector<256x64xf32>
    %reduce_sum3A_63 = arith.constant dense<0.000000e+00> : vector<256xf32>
    %reduce_sum3A_64 = vector.multi_reduction <add>, %select_n3A_62, %reduce_sum3A_63 [1] : vector<256x64xf32> to vector<256xf32>
    %broadcast_in_dim3A_65 = vector.shape_cast %reduce_sum3A_64 : vector<256xf32> to vector<256x1xf32>
    %slice3A_66 = vector.extract_strided_slice %get3A_8 {offsets = [0, 7], sizes = [256, 1], strides = [1, 1]} : vector<256x8xi32> to vector<256x1xi32>
    %eq3A_67 = vector.broadcast %slice3A_66 : vector<256x1xi32> to vector<256x64xi32>
    %eq3A_68 = arith.cmpi eq, %eq3A_67, %iota3A : vector<256x64xi32>
    %jit3A_69 = arith.constant 0.000000e+00 : f32
    %broadcast_in_dim3A_70 = vector.broadcast %jit3A_69 : f32 to vector<256x64xf32>
    %select_n3A_71 = arith.select %eq3A_68, %dot_general3A_5, %broadcast_in_dim3A_70 : vector<256x64xi1>, vector<256x64xf32>
    %reduce_sum3A_72 = arith.constant dense<0.000000e+00> : vector<256xf32>
    %reduce_sum3A_73 = vector.multi_reduction <add>, %select_n3A_71, %reduce_sum3A_72 [1] : vector<256x64xf32> to vector<256xf32>
    %broadcast_in_dim3A_74 = vector.shape_cast %reduce_sum3A_73 : vector<256xf32> to vector<256x1xf32>
    %concatenate3A = tpu.concatenate %broadcast_in_dim3A_11, %broadcast_in_dim3A_20, %broadcast_in_dim3A_29, %broadcast_in_dim3A_38, %broadcast_in_dim3A_47, %broadcast_in_dim3A_56, %broadcast_in_dim3A_65, %broadcast_in_dim3A_74 in 1 : vector<256x1xf32>, vector<256x1xf32>, vector<256x1xf32>, vector<256x1xf32>, vector<256x1xf32>, vector<256x1xf32>, vector<256x1xf32>, vector<256x1xf32> -> vector<256x8xf32>
    %reduce_max3A = arith.constant dense<0xFF800000> : vector<256xf32>
    %reduce_max3A_75 = vector.multi_reduction <maximumf>, %concatenate3A, %reduce_max3A [1] : vector<256x8xf32> to vector<256xf32>
    %broadcast_in_dim3A_76 = vector.shape_cast %reduce_max3A_75 : vector<256xf32> to vector<256x1xf32>
    %sub3A = vector.broadcast %broadcast_in_dim3A_76 : vector<256x1xf32> to vector<256x8xf32>
    %sub3A_77 = arith.subf %concatenate3A, %sub3A : vector<256x8xf32>
    %exp3A = math.exp %sub3A_77 : vector<256x8xf32>
    %reduce_sum3A_78 = arith.constant dense<0.000000e+00> : vector<256xf32>
    %reduce_sum3A_79 = vector.multi_reduction <add>, %exp3A, %reduce_sum3A_78 [1] : vector<256x8xf32> to vector<256xf32>
    %broadcast_in_dim3A_80 = vector.shape_cast %reduce_sum3A_79 : vector<256xf32> to vector<256x1xf32>
    %div3A = vector.broadcast %broadcast_in_dim3A_80 : vector<256x1xf32> to vector<256x8xf32>
    %div3A_81 = arith.divf %exp3A, %div3A : vector<256x8xf32>
    %slice3A_82 = vector.extract_strided_slice %div3A_81 {offsets = [0, 0], sizes = [256, 1], strides = [1, 1]} : vector<256x8xf32> to vector<256x1xf32>
    %get3A_83 = arith.constant 0 : index
    %get3A_84 = arith.constant 0 : index
    %get3A_85 = vector.load %arg3[%get3A_83, %get3A_84] : memref<256x4096xf32, #tpu.memory_space<vmem>>, vector<256x512xf32>
    %mul3A = vector.broadcast %slice3A_82 : vector<256x1xf32> to vector<256x512xf32>
    %mul3A_86 = arith.mulf %mul3A, %get3A_85 : vector<256x512xf32>
    %slice3A_87 = vector.extract_strided_slice %div3A_81 {offsets = [0, 1], sizes = [256, 1], strides = [1, 1]} : vector<256x8xf32> to vector<256x1xf32>
    %get3A_88 = arith.constant 0 : index
    %get3A_89 = arith.constant 512 : index
    %get3A_90 = vector.load %arg3[%get3A_88, %get3A_89] : memref<256x4096xf32, #tpu.memory_space<vmem>>, vector<256x512xf32>
    %mul3A_91 = vector.broadcast %slice3A_87 : vector<256x1xf32> to vector<256x512xf32>
    %mul3A_92 = arith.mulf %mul3A_91, %get3A_90 : vector<256x512xf32>
    %add3A = arith.addf %mul3A_86, %mul3A_92 : vector<256x512xf32>
    %slice3A_93 = vector.extract_strided_slice %div3A_81 {offsets = [0, 2], sizes = [256, 1], strides = [1, 1]} : vector<256x8xf32> to vector<256x1xf32>
    %get3A_94 = arith.constant 0 : index
    %get3A_95 = arith.constant 1024 : index
    %get3A_96 = vector.load %arg3[%get3A_94, %get3A_95] : memref<256x4096xf32, #tpu.memory_space<vmem>>, vector<256x512xf32>
    %mul3A_97 = vector.broadcast %slice3A_93 : vector<256x1xf32> to vector<256x512xf32>
    %mul3A_98 = arith.mulf %mul3A_97, %get3A_96 : vector<256x512xf32>
    %add3A_99 = arith.addf %add3A, %mul3A_98 : vector<256x512xf32>
    %slice3A_100 = vector.extract_strided_slice %div3A_81 {offsets = [0, 3], sizes = [256, 1], strides = [1, 1]} : vector<256x8xf32> to vector<256x1xf32>
    %get3A_101 = arith.constant 0 : index
    %get3A_102 = arith.constant 1536 : index
    %get3A_103 = vector.load %arg3[%get3A_101, %get3A_102] : memref<256x4096xf32, #tpu.memory_space<vmem>>, vector<256x512xf32>
    %mul3A_104 = vector.broadcast %slice3A_100 : vector<256x1xf32> to vector<256x512xf32>
    %mul3A_105 = arith.mulf %mul3A_104, %get3A_103 : vector<256x512xf32>
    %add3A_106 = arith.addf %add3A_99, %mul3A_105 : vector<256x512xf32>
    %slice3A_107 = vector.extract_strided_slice %div3A_81 {offsets = [0, 4], sizes = [256, 1], strides = [1, 1]} : vector<256x8xf32> to vector<256x1xf32>
    %get3A_108 = arith.constant 0 : index
    %get3A_109 = arith.constant 2048 : index
    %get3A_110 = vector.load %arg3[%get3A_108, %get3A_109] : memref<256x4096xf32, #tpu.memory_space<vmem>>, vector<256x512xf32>
    %mul3A_111 = vector.broadcast %slice3A_107 : vector<256x1xf32> to vector<256x512xf32>
    %mul3A_112 = arith.mulf %mul3A_111, %get3A_110 : vector<256x512xf32>
    %add3A_113 = arith.addf %add3A_106, %mul3A_112 : vector<256x512xf32>
    %slice3A_114 = vector.extract_strided_slice %div3A_81 {offsets = [0, 5], sizes = [256, 1], strides = [1, 1]} : vector<256x8xf32> to vector<256x1xf32>
    %get3A_115 = arith.constant 0 : index
    %get3A_116 = arith.constant 2560 : index
    %get3A_117 = vector.load %arg3[%get3A_115, %get3A_116] : memref<256x4096xf32, #tpu.memory_space<vmem>>, vector<256x512xf32>
    %mul3A_118 = vector.broadcast %slice3A_114 : vector<256x1xf32> to vector<256x512xf32>
    %mul3A_119 = arith.mulf %mul3A_118, %get3A_117 : vector<256x512xf32>
    %add3A_120 = arith.addf %add3A_113, %mul3A_119 : vector<256x512xf32>
    %slice3A_121 = vector.extract_strided_slice %div3A_81 {offsets = [0, 6], sizes = [256, 1], strides = [1, 1]} : vector<256x8xf32> to vector<256x1xf32>
    %get3A_122 = arith.constant 0 : index
    %get3A_123 = arith.constant 3072 : index
    %get3A_124 = vector.load %arg3[%get3A_122, %get3A_123] : memref<256x4096xf32, #tpu.memory_space<vmem>>, vector<256x512xf32>
    %mul3A_125 = vector.broadcast %slice3A_121 : vector<256x1xf32> to vector<256x512xf32>
    %mul3A_126 = arith.mulf %mul3A_125, %get3A_124 : vector<256x512xf32>
    %add3A_127 = arith.addf %add3A_120, %mul3A_126 : vector<256x512xf32>
    %slice3A_128 = vector.extract_strided_slice %div3A_81 {offsets = [0, 7], sizes = [256, 1], strides = [1, 1]} : vector<256x8xf32> to vector<256x1xf32>
    %get3A_129 = arith.constant 0 : index
    %get3A_130 = arith.constant 3584 : index
    %get3A_131 = vector.load %arg3[%get3A_129, %get3A_130] : memref<256x4096xf32, #tpu.memory_space<vmem>>, vector<256x512xf32>
    %mul3A_132 = vector.broadcast %slice3A_128 : vector<256x1xf32> to vector<256x512xf32>
    %mul3A_133 = arith.mulf %mul3A_132, %get3A_131 : vector<256x512xf32>
    %add3A_134 = arith.addf %add3A_127, %mul3A_133 : vector<256x512xf32>
    %get3A_135 = arith.constant 0 : index
    %get3A_136 = arith.constant 0 : index
    %get3A_137 = vector.load %arg2[%get3A_135, %get3A_136] : memref<256x512xf32, #tpu.memory_space<vmem>>, vector<256x512xf32>
    %add3A_138 = arith.addf %get3A_137, %add3A_134 : vector<256x512xf32>
    %get3A_139 = arith.constant 0 : index
    %get3A_140 = arith.constant 0 : index
    %get3A_141 = vector.load %arg6[%get3A_139, %get3A_140] : memref<512x512xf32, #tpu.memory_space<vmem>>, vector<512x512xf32>
    %dot_general3A_142 = arith.constant dense<0.000000e+00> : vector<256x512xf32>
    %dot_general3A_143 = tpu.matmul %add3A_138, %get3A_141, %dot_general3A_142 {dimension_numbers = #tpu.dot_dimension_numbers<[1], [0], [0], [1], [0, 0, 1, 1], [], []>, transpose_lhs_hint = false} : vector<256x512xf32>, vector<512x512xf32>, vector<256x512xf32> -> vector<256x512xf32>
    %tanh3A = math.tanh %dot_general3A_143 : vector<256x512xf32>
    %sign3A = tpu.bitcast %add3A_134 : vector<256x512xf32> -> vector<256x512xi32>
    %sign3A_144 = arith.constant -2147483648 : i32
    %sign3A_145 = vector.broadcast %sign3A_144 : i32 to vector<256x512xi32>
    %sign3A_146 = arith.andi %sign3A, %sign3A_145 : vector<256x512xi32>
    %sign3A_147 = arith.constant 1065353216 : i32
    %sign3A_148 = vector.broadcast %sign3A_147 : i32 to vector<256x512xi32>
    %sign3A_149 = arith.ori %sign3A_148, %sign3A_146 : vector<256x512xi32>
    %sign3A_150 = tpu.bitcast %sign3A_149 : vector<256x512xi32> -> vector<256x512xf32>
    %sign3A_151 = math.absf %add3A_134 : vector<256x512xf32>
    %sign3A_152 = arith.constant 0.000000e+00 : f32
    %sign3A_153 = vector.broadcast %sign3A_152 : f32 to vector<256x512xf32>
    %sign3A_154 = arith.cmpf ogt, %sign3A_151, %sign3A_153 : vector<256x512xf32>
    %sign3A_155 = arith.select %sign3A_154, %sign3A_150, %add3A_134 : vector<256x512xi1>, vector<256x512xf32>
    %mul3A_156 = arith.constant 0.00999999977 : f32
    %mul3A_157 = vector.broadcast %mul3A_156 : f32 to vector<256x512xf32>
    %mul3A_158 = arith.mulf %sign3A_155, %mul3A_157 : vector<256x512xf32>
    %add3A_159 = arith.addf %add3A_138, %mul3A_158 : vector<256x512xf32>
    %get3A_160 = arith.constant 0 : index
    %get3A_161 = arith.constant 0 : index
    %get3A_162 = vector.load %arg6[%get3A_160, %get3A_161] : memref<512x512xf32, #tpu.memory_space<vmem>>, vector<512x512xf32>
    %dot_general3A_163 = arith.constant dense<0.000000e+00> : vector<256x512xf32>
    %dot_general3A_164 = tpu.matmul %add3A_159, %get3A_162, %dot_general3A_163 {dimension_numbers = #tpu.dot_dimension_numbers<[1], [0], [0], [1], [0, 0, 1, 1], [], []>, transpose_lhs_hint = false} : vector<256x512xf32>, vector<512x512xf32>, vector<256x512xf32> -> vector<256x512xf32>
    %tanh3A_165 = math.tanh %dot_general3A_164 : vector<256x512xf32>
    %get3A_166 = arith.constant 0 : index
    %get3A_167 = arith.constant 0 : index
    %get3A_168 = vector.load %arg7[%get3A_166, %get3A_167] : memref<16x256xf32, #tpu.memory_space<vmem>>, vector<16x256xf32>
    %dot_general3A_169 = arith.constant dense<0.000000e+00> : vector<16x512xf32>
    %dot_general3A_170 = tpu.matmul %get3A_168, %tanh3A, %dot_general3A_169 {dimension_numbers = #tpu.dot_dimension_numbers<[1], [0], [0], [1], [0, 0, 1, 1], [], []>, transpose_lhs_hint = false} : vector<16x256xf32>, vector<256x512xf32>, vector<16x512xf32> -> vector<16x512xf32>
    %dot_general3A_171 = arith.constant dense<0.000000e+00> : vector<16x512xf32>
    %dot_general3A_172 = tpu.matmul %get3A_168, %tanh3A_165, %dot_general3A_171 {dimension_numbers = #tpu.dot_dimension_numbers<[1], [0], [0], [1], [0, 0, 1, 1], [], []>, transpose_lhs_hint = false} : vector<16x256xf32>, vector<256x512xf32>, vector<16x512xf32> -> vector<16x512xf32>
    %eq3A_173 = arith.constant 0 : i32
    %eq3A_174 = arith.cmpi eq, %arg0, %eq3A_173 : i32
    %convert_element_type3A = arith.extui %eq3A_174 : i1 to i32
    %cond3A = arith.constant 0 : i32
    %cond3A_175 = arith.cmpi ne, %convert_element_type3A, %cond3A : i32
    scf.if %cond3A_175 {
      %broadcast_in_dim3A_189 = arith.constant 0.000000e+00 : f32
      %broadcast_in_dim3A_190 = vector.broadcast %broadcast_in_dim3A_189 : f32 to vector<16x512xf32>
      %swap3A_191 = arith.constant 0 : index
      %swap3A_192 = arith.constant 0 : index
      %swap3A_193 = vector.load %arg8[%swap3A_191, %swap3A_192] : memref<16x512xf32, #tpu.memory_space<vmem>>, vector<16x512xf32>
      tpu.vector_store %arg8[%swap3A_191, %swap3A_192], %broadcast_in_dim3A_190 {strides = array<i32>} : memref<16x512xf32, #tpu.memory_space<vmem>>, vector<16x512xf32>,
      %broadcast_in_dim3A_194 = arith.constant 0.000000e+00 : f32
      %broadcast_in_dim3A_195 = vector.broadcast %broadcast_in_dim3A_194 : f32 to vector<16x512xf32>
      %swap3A_196 = arith.constant 0 : index
      %swap3A_197 = arith.constant 0 : index
      %swap3A_198 = vector.load %arg9[%swap3A_196, %swap3A_197] : memref<16x512xf32, #tpu.memory_space<vmem>>, vector<16x512xf32>
      tpu.vector_store %arg9[%swap3A_196, %swap3A_197], %broadcast_in_dim3A_195 {strides = array<i32>} : memref<16x512xf32, #tpu.memory_space<vmem>>, vector<16x512xf32>,
    } else {
    }
    %get3A_176 = arith.constant 0 : index
    %get3A_177 = arith.constant 0 : index
    %get3A_178 = vector.load %arg8[%get3A_176, %get3A_177] : memref<16x512xf32, #tpu.memory_space<vmem>>, vector<16x512xf32>
    %add3A_179 = arith.addf %get3A_178, %dot_general3A_170 : vector<16x512xf32>
    %swap3A = arith.constant 0 : index
    %swap3A_180 = arith.constant 0 : index
    %swap3A_181 = vector.load %arg8[%swap3A, %swap3A_180] : memref<16x512xf32, #tpu.memory_space<vmem>>, vector<16x512xf32>
    tpu.vector_store %arg8[%swap3A, %swap3A_180], %add3A_179 {strides = array<i32>} : memref<16x512xf32, #tpu.memory_space<vmem>>, vector<16x512xf32>,
    %get3A_182 = arith.constant 0 : index
    %get3A_183 = arith.constant 0 : index
    %get3A_184 = vector.load %arg9[%get3A_182, %get3A_183] : memref<16x512xf32, #tpu.memory_space<vmem>>, vector<16x512xf32>
    %add3A_185 = arith.addf %get3A_184, %dot_general3A_172 : vector<16x512xf32>
    %swap3A_186 = arith.constant 0 : index
    %swap3A_187 = arith.constant 0 : index
    %swap3A_188 = vector.load %arg9[%swap3A_186, %swap3A_187] : memref<16x512xf32, #tpu.memory_space<vmem>>, vector<16x512xf32>
    tpu.vector_store %arg9[%swap3A_186, %swap3A_187], %add3A_185 {strides = array<i32>} : memref<16x512xf32, #tpu.memory_space<vmem>>, vector<16x512xf32>,
    return
  }
  func.func @transform_0(%arg0: i32) -> (i32, i32) {
    %c0_i32 = arith.constant 0 : i32
    %c0_i32_0 = arith.constant 0 : i32
    return %arg0, %c0_i32 : i32, i32
  }
  func.func @transform_1(%arg0: i32) -> (i32, i32) {
    %c0_i32 = arith.constant 0 : i32
    %c0_i32_0 = arith.constant 0 : i32
    return %arg0, %c0_i32 : i32, i32
  }
  func.func @transform_2(%arg0: i32) -> (i32, i32) {
    %c0_i32 = arith.constant 0 : i32
    %c0_i32_0 = arith.constant 0 : i32
    return %arg0, %c0_i32 : i32, i32
  }
  func.func @transform_3(%arg0: i32) -> (i32, i32) {
    %c0_i32 = arith.constant 0 : i32
    %c0_i32_0 = arith.constant 0 : i32
    return %arg0, %c0_i32 : i32, i32
  }
  func.func @transform_4(%arg0: i32) -> (i32, i32) {
    %c0_i32 = arith.constant 0 : i32
    %c0_i32_0 = arith.constant 0 : i32
    %c0_i32_1 = arith.constant 0 : i32
    return %c0_i32, %c0_i32_0 : i32, i32
  }
  func.func @transform_5(%arg0: i32) -> (i32, i32) {
    %c0_i32 = arith.constant 0 : i32
    %c0_i32_0 = arith.constant 0 : i32
    %c0_i32_1 = arith.constant 0 : i32
    return %c0_i32, %c0_i32_0 : i32, i32
  }
  func.func @transform_6(%arg0: i32) -> (i32, i32) {
    %c0_i32 = arith.constant 0 : i32
    %c0_i32_0 = arith.constant 0 : i32
    return %c0_i32, %arg0 : i32, i32
  }
  func.func @transform_7(%arg0: i32) -> (i32, i32) {
    %c0_i32 = arith.constant 0 : i32
    %c0_i32_0 = arith.constant 0 : i32
    %c0_i32_1 = arith.constant 0 : i32
    return %c0_i32, %c0_i32_0 : i32, i32
  }
  func.func @transform_8(%arg0: i32) -> (i32, i32) {
    %c0_i32 = arith.constant 0 : i32
    %c0_i32_0 = arith.constant 0 : i32
    %c0_i32_1 = arith.constant 0 : i32
    return %c0_i32, %c0_i32_0 : i32, i32
  }
}

</mosaic_0001>

<sc_bundles>
// kernel: kernel.4.cloned.1.call-start
scs
__scs_entry_jumppad:
0x0: {  	(pc) =	sbr.rel $0x88, $3  }
0x1: {  	(tag) =	ssettag $0x0;
	lr =	simm.s32 $0x1  }
0x2: {  	[smem:$0x3F98] =	sst lr;
	_ =	strace $0xD0000000  }
0x3: {  	_ = 	snop  }
0x4: {  	_ = 	snop  }
0x5: {  	_ = 	snop  }
0x6: {  	_ = 	snop  }
0x7: {  	_ = 	snop  }
__scs_overlays_trampoline_lowered:
0x8: {  	[smem:$0x3FA7] =	sst s0  }
0x9: {  	[smem:$0x3FA8] =	sst s1  }
0xa: {  	[smem:$0x3FA9] =	sst s2  }
0xb: {  	[smem:$0x3FAA] =	sst s3  }
0xc: {  	[smem:$0x3FAB] =	sst s4  }
0xd: {  	[smem:$0x3FAC] =	sst s5  }
0xe: {  	[smem:$0x3FAD] =	sst s6  }
0xf: {  	[smem:$0x3FAE] =	sst s7  }
0x10: {  	[smem:$0x3FAF] =	sst s8  }
0x11: {  	[smem:$0x3FB0] =	sst s9;
	s0 =	simm.s32 @!p0 $0x0  }
0x12: {  	s1 =	sld [smem:$0x3F96];
	s0 =	simm.s32 @p0 $0x1  }
0x13: {  	[smem:$0x3FB1] =	sst s0;
	s0 =	simm.s32 @!p1 $0x0  }
0x14: {  	s2 =	sld [smem:$0x3F95];
	s0 =	simm.s32 @p1 $0x1  }
0x15: {  	[smem:$0x3FB2] =	sst s0;
	s0 =	simm.s32 @!p2 $0x0  }
0x16: {  	s3 =	sld [smem:$0x3FDB];
	s0 =	simm.s32 @p2 $0x1  }
0x17: {  	s4 =	simm.s32 $0x1BF5;
	[smem:$0x3FB4] =	sst s0  }
0x18: {  	s0 =	sld [smem:$0x3F97];
	_ =	swait.ge [sflag:s4], $0x0  }
0x19: {  	s7 =	sld [smem:$0x3F98]  }
0x1a: {  	s8 =	sadd.s32 $0xFFFFE003, lr  }
0x1b: {  	s9 =	sadd.s32 $0xFFFFFEF7, lr;
	s5 =	simm.s32 $0xFFFFFFFF;
	p2 =	slt.u32 s8, $0xFFFFF086  }
0x1c: {  	p1 =	slt.u32 s9, $0xF7A;
	s5 =	simm.s32 @!p2 $0x0  }
0x1d: {  	s5 =	simm.s32 @p1 $0x1;
	p0 =	seq.s32 s7, s2  }
0x1e: {  	s7 =	smul.u32 @!p0 $0xF7A, s2;
	p2 =	seq.s32 @!p0 s5, $0x0  }
0x1f: {  	s9 =	smul.u32 $0xF7A, s1;
	s8 =	simm.s32 @!p0 $0x1BF5;
	p2 =	por !p2, p0  }
0x20: {  	[sflag:s8] =	ssyncset.s32 @!p0 $0xFFFFF086;
	s6 =	sadd.s32 @!p0 s3, s7;
	s7 =	simm.s32 @!p0 $0x108  }
0x21: {  	s3 =	sadd.s32 s3, s9;
	s6 =	sadd.s32 @!p0 $0x88, s6;
	s7 =	simm.s32 @p2 $0x1082  }
0x22: {  	[simem:s7], [sflag:s8] =	dma.local @!p0 [hbm:s6], $0xF7A  }
0x23: {  	s9 =	sor.u32 $0xD0000000, s2;
	s6 =	simm.s32 $0x108;
	_ =	swait.ge @!p0 [sflag:s8], $0x0  }
0x24: {  	s3 =	sadd.s32 $0x88, s3;
	s6 =	simm.s32 @!p1 $0x1082;
	[sflag:s4] =	ssyncset.s32 $0xFFFFF086  }
0x25: {  	[simem:s6], [sflag:s4] =	dma.local [hbm:s3], $0xF7A  }
0x26: {  	[smem:$0x3F98] =	sst s1;
	(tag) =	ssettag s2;
	_ =	strace s9  }
0x27: {  	s1 =	sld [smem:$0x3FA8]  }
0x28: {  	s2 =	sld [smem:$0x3FA9]  }
0x29: {  	s4 =	sld [smem:$0x3FAB]  }
0x2a: {  	p0 =	seq.s32 s5, $0x0;
	s5 =	sld [smem:$0x3FAC]  }
0x2b: {  	s6 =	sld [smem:$0x3FAD]  }
0x2c: {  	s7 =	sld [smem:$0x3FAE]  }
0x2d: {  	s3 =	simm.s32 $0x108;
	s8 =	sld [smem:$0x3FAF]  }
0x2e: {  	s3 =	simm.s32 @!p0 $0x1082;
	s9 =	sld [smem:$0x3FB0]  }
0x2f: {  	lr =	sadd.s32 s0, s3;
	s0 =	sld [smem:$0x3FA7]  }
0x30: {  	s3 =	sld [smem:$0x3FAA]  }
0x31: {  	[smem:$0x3FB3] =	sst s10  }
0x32: {  	s10 =	sld [smem:$0x3FB1];
	_ =	sdelay $0x3  }
0x33: {  	p0 =	seq.s32 s10, $0x1;
	s10 =	sld [smem:$0x3FB3];
	_ =	sdelay $0x3  }
0x34: {  	[smem:$0x3FB3] =	sst s10  }
0x35: {  	s10 =	sld [smem:$0x3FB2];
	_ =	sdelay $0x3  }
0x36: {  	p1 =	seq.s32 s10, $0x1;
	s10 =	sld [smem:$0x3FB3];
	_ =	sdelay $0x3  }
0x37: {  	[smem:$0x3FB3] =	sst s10  }
0x38: {  	s10 =	sld [smem:$0x3FB4]  }
0x39: {  	_ = 	snop;
	(pc) =	sbr.ind lr, $3  }
0x3a: {  	_ = 	snop  }
0x3b: {  	_ = 	snop  }
0x3c: {  	p2 =	seq.s32 s10, $0x1;
	s10 =	sld [smem:$0x3FB3]  }
0x3d: {  	_ =	shalt  }
0x3e: {  	_ =	shalt  }
0x3f: {  	_ =	shalt  }
0x40: {  	_ =	shalt  }
0x41: {  	_ =	shalt  }
0x42: {  	_ =	shalt  }
0x43: {  	_ =	shalt  }
0x44: {  	_ =	shalt  }
0x45: {  	_ =	shalt  }
0x46: {  	_ =	shalt  }
0x47: {  	_ =	shalt  }
0x48: {  	_ =	shalt  }
0x49: {  	_ =	shalt  }
0x4a: {  	_ =	shalt  }
0x4b: {  	_ =	shalt  }
0x4c: {  	_ =	shalt  }
0x4d: {  	_ =	shalt  }
0x4e: {  	_ =	shalt  }
0x4f: {  	_ =	shalt  }
0x50: {  	_ =	shalt  }
0x51: {  	_ =	shalt  }
0x52: {  	_ =	shalt  }
0x53: {  	_ =	shalt  }
0x54: {  	_ =	shalt  }
0x55: {  	_ =	shalt  }
0x56: {  	_ =	shalt  }
0x57: {  	_ =	shalt  }
0x58: {  	_ =	shalt  }
0x59: {  	_ =	shalt  }
0x5a: {  	_ =	shalt  }
0x5b: {  	_ =	shalt  }
0x5c: {  	_ =	shalt  }
0x5d: {  	_ =	shalt  }
0x5e: {  	_ =	shalt  }
0x5f: {  	_ =	shalt  }
0x60: {  	_ =	shalt  }
0x61: {  	_ =	shalt  }
0x62: {  	_ =	shalt  }
0x63: {  	_ =	shalt  }
0x64: {  	_ =	shalt  }
0x65: {  	_ =	shalt  }
0x66: {  	_ =	shalt  }
0x67: {  	_ =	shalt  }
0x68: {  	_ =	shalt  }
0x69: {  	_ =	shalt  }
0x6a: {  	_ =	shalt  }
0x6b: {  	_ =	shalt  }
0x6c: {  	_ =	shalt  }
0x6d: {  	_ =	shalt  }
0x6e: {  	_ =	shalt  }
0x6f: {  	_ =	shalt  }
0x70: {  	_ =	shalt  }
0x71: {  	_ =	shalt  }
0x72: {  	_ =	shalt  }
0x73: {  	_ =	shalt  }
0x74: {  	_ =	shalt  }
0x75: {  	_ =	shalt  }
0x76: {  	_ =	shalt  }
0x77: {  	_ =	shalt  }
0x78: {  	_ =	shalt  }
0x79: {  	_ =	shalt  }
0x7a: {  	_ =	shalt  }
0x7b: {  	_ =	shalt  }
0x7c: {  	_ =	shalt  }
0x7d: {  	_ =	shalt  }
0x7e: {  	_ =	shalt  }
0x7f: {  	_ =	shalt  }
0x80: {  	_ =	shalt  }
0x81: {  	_ =	shalt  }
0x82: {  	_ =	shalt  }
0x83: {  	_ =	shalt  }
0x84: {  	_ =	shalt  }
0x85: {  	_ =	shalt  }
0x86: {  	_ =	shalt  }
0x87: {  	_ =	shalt  }
.Lfunc_end0:
.L_simem_size_0:
called_computation_lowered:
.L_overlay_start_0:
0x88: {  	s2 =	sld [smem:$0x3FD9]  }
0x89: {  	s3 =	sld [smem:$0x3FFE];
	_ =	sdelay $0x1  }
0x8a: {  	s1 =	srdreg.scid  }
0x8b: {  	s0 =	sand.u32 $0x1, s1  }
0x8c: {  	s14 =	sshll.u32 s0, $0xA;
	s2 =	sadd.s32 s3, s2  }
0x8d: {  	s2 =	sadd.s32 s2, s14  }
0x8e: {  	[smem:$0x3FBF] =	sst s2  }
0x8f: {  	_ = 	snop  }
0x90: {  	s2 =	sld [smem:$0x3FD0];
	_ =	sdelay $0x1  }
0x91: {  	s15 =	sld [smem:$0x3FC5]  }
0x92: {  	s5 =	simm.s32 $0xA;
	s6 =	simm.s32 $0x10;
	s4 =	sld [smem:$0x3FC4]  }
0x93: {  	[smem:s6], [sflag:s5] =	dma.local [hbm:s2], $0x1  }
0x94: {  	_ =	swait.eq [sflag:s5], $0x1  }
0x95: {  	[sflag:s5] =	ssyncset.done $0x0  }
0x96: {  	s16 =	sld [smem:$0x10];
	[sflag:s5] =	ssyncadd.s32 $0xFFFFFFFF  }
0x97: {  	s17 =	sld [smem:$0x11];
	(tm) =	ssettm $0x1  }
0x98: {  	s18 =	sld [smem:$0x3FFB];
	_ =	sdelay $0x3  }
0x99: {  	_ =	strace s18  }
0x9a: {  	s6 =	sld [smem:$0x3FFC];
	_ =	sdelay $0x3  }
0x9b: {  	_ =	strace s6  }
0x9c: {  	s6 =	sld [smem:$0x3FFD];
	_ =	sdelay $0x3  }
0x9d: {  	_ =	strace s6  }
0x9e: {  	_ =	strace $0x8FFFFFFF  }
0x9f: {  	s19 =	sld [smem:$0x3FDB];
	_ =	sdelay $0x1  }
0xa0: {  	s7 =	simm.s32 $_scs_section_size  }
0xa1: {  	s8 =	simm.s32 $_size__tile_overlayer_lowered;
	s9 =	simm.s32 $_tile_overlayer_lowered  }
0xa2: {  	s22 =	simm.s32 $0x1BFF;
	s21 =	sshll.u32 s9, $0x1;
	s6 =	sadd.s32 s7, s19  }
0xa3: {  	s10 =	simm.s32 $0x0;
	s20 =	sshll.u32 s8, $0x1;
	s8 =	sadd.s32 s21, s6  }
0xa4: {  	[timem:s10], [sflag:s22] =	dma.local [hbm:s8], s20  }
0xa5: {  	_ =	swait.ge [sflag:s22], s20  }
0xa6: {  	s7 =	ssub.s32 $0x0, s20;
	[sflag:s22] =	ssyncset.done $0x0  }
0xa7: {  	[sflag:s22] =	ssyncadd.s32 s7;
	_ =	sdelay $0x1  }
0xa8: {  	s23 =	simm.s32 $0x1B8B  }
0xa9: {  	_ =	swait.ge [sflag:s23], $0x1  }
0xaa: {  	[sflag:s23] =	ssyncset.done $0x0  }
0xab: {  	s25 =	simm.s32 $0x1B8E;
	s24 =	sld [smem:$0x3FFE];
	[sflag:s23] =	ssyncadd.s32 $0xFFFFFFFF  }
0xac: {  	s26 =	simm.s32 $execute0_lowered;
	[smem:$0x3FD2] =	sst s25  }
0xad: {  	s8 =	sshll.u32 s26, $0x1;
	_ =	strace $0x80000046;
	[dreg:$0x1] =	wrdreg $0xFFFFFFFF  }
0xae: {  	s28 =	simm.s32 $_size_execute0_lowered;
	s6 =	sadd.s32 s6, s8;
	[dreg:$0x0] =	wrdreg $0x0  }
0xaf: {  	s8 =	sshll.u32 s28, $0x1;
	[dreg:$0x2] =	wrdreg s6  }
0xb0: {  	[dreg:$0x3] =	wrdreg s8  }
0xb1: {  	[dreg:$0x4] =	wrdreg $0xC0  }
0xb2: {  	_ =	task [dreg:s10], $0x5FFFF  }
0xb3: {  	[dreg:$0x1] =	wrdreg $0xFFFFFFFF  }
0xb4: {  	[dreg:$0x0] =	wrdreg $0x60  }
0xb5: {  	[dreg:$0x2] =	wrdreg s16  }
0xb6: {  	[dreg:$0x3] =	wrdreg s24  }
0xb7: {  	[dreg:$0x4] =	wrdreg s15  }
0xb8: {  	[dreg:$0x5] =	wrdreg s4  }
0xb9: {  	[dreg:$0x6] =	wrdreg s17  }
0xba: {  	[dreg:$0x7] =	wrdreg $0x9  }
0xbb: {  	_ =	task.clear_ibuf [dreg:s10], $0x8FFFF;
	_ =	strace $0x90000046  }
0xbc: {  	s29 =	simm.s32 $0x9;
	_ =	strace $0x80000048  }
0xbd: {  	_ =	swait.ge [sflag:s29], $0x1  }
0xbe: {  	[sflag:s29] =	ssyncadd.s32 $0xFFFFFFFF  }
0xbf: {  	_ =	strace $0x90000048  }
0xc0: {  	_ =	sfence  }
0xc1: {  	s30 =	sld [smem:$0x0];
	_ =	sdelay $0x2  }
0xc2: {  	s31 =	sshll.u32 s1, $0xD;
	s1 =	sshrl.u32 s1, $0x2  }
0xc3: {  	s3 =	sand.u32 $0x4000, s31;
	s1 =	sadd.s32 s1, s30  }
0xc4: {  	s0 =	sor.u32 s3, s0;
	s1 =	sshll.u32 s1, $0x11  }
0xc5: {  	s0 =	sor.u32 s1, s0  }
0xc6: {  	s0 =	sadd.s32 $0x8F2B, s0  }
0xc7: {  	[sflag:s0] =	ssyncadd.remote.s32 $0x1  }
0xc8: {  	_ =	sfence.sel $0xFFFF  }
0xc9: {  	[dreg:$0x0] =	wrdreg $0xFFFFFFFF;
	(pc) =	sbr.abs _section_cstart, $3  }
0xca: {  	[dreg:$0x1] =	wrdreg $0xFFFFFFFF  }
0xcb: {  	_ =	task.clear_ibuf [dreg:s10], $0x2FFFF;
	_ =	strace $0x9FFFFFFF  }
0xcc: {  	(tm) =	ssettm $0x7FFFFFFF  }
0xcd: {  	_ =	shalt  }
tec
execute0_lowered:
.L_overlay_start_1:
0x0: {  	(tag) =	ssettag $0x1  }
0x1: {  	v0 =	vimm.s32 $0x83828180  }
0x2: {  	v1 =	vimm.s32 $0x187;
	vm5 =	vcmask $0x300;
	v2 =	vimm.s32 $0x87868584  }
0x3: {  	vm3 =	vcmask $0x704;
	vm4 =	vcmask $0xB08;
	v3 =	vimm.s32 $0x8B8A8988  }
0x4: {  	v4 =	vimm.s32 $0x8F8E8D8C;
	vm2 =	vcmask $0xF0C;
	vm0 =	vcmask $0x1F10  }
0x5: {  	vm1 =	vcmask $0x1310;
	v6 =	vimm.s32 $0x587;
	v7 =	vimm.s32 $0x687  }
0x6: {  	v8 =	vimm.s32 $0x787;
	v9 =	vimm.s32 $0x887;
	v10 =	vimm.s32 $0x987  }
0x7: {  	v11 =	vimm.s32 $0xA87;
	v12 =	vimm.s32 $0xB87;
	v13 =	vimm.s32 $0xC87  }
0x8: {  	v14 =	vimm.s32 $0xD87;
	v15 =	vimm.s32 $0xE87;
	v16 =	vimm.s32 $0xF87  }
0x9: {  	v17 =	vimm.s32 $0x18F;
	v18 =	vimm.s32 $0x28F;
	v19 =	vimm.s32 $0x38F  }
0xa: {  	v20 =	vimm.s32 $0x48F;
	v21 =	vimm.s32 $0x58F;
	v22 =	vimm.s32 $0x68F  }
0xb: {  	v23 =	vimm.s32 $0x78F;
	v24 =	vimm.s32 $0x88F;
	v25 =	vimm.s32 $0x98F  }
0xc: {  	v26 =	vimm.s32 $0xA8F;
	v27 =	vimm.s32 $0xB8F;
	v28 =	vimm.s32 $0xC8F  }
0xd: {  	v29 =	vimm.s32 $0xD8F;
	v30 =	vimm.s32 $0xE8F;
	v31 =	vimm.s32 $0xF8F  }
0xe: {  	v32 =	vimm.s32 $0x76543210;
	v0 =	vunpack.c.0.s8.s32 v0;
	v1 =	vsel vm5, $0x100, v1  }
0xf: {  	v2 =	vunpack.c.0.s8.s32 v2;
	v3 =	vunpack.c.0.s8.s32 v3;
	v5 =	vunpack.c.0.s8.s32 v4  }
0x10: {  	v6 =	vsel vm5, $0x500, v6;
	v7 =	vsel vm5, $0x600, v7;
	v8 =	vsel vm5, $0x700, v8  }
0x11: {  	v9 =	vsel vm5, $0x800, v9;
	v10 =	vsel vm5, $0x900, v10;
	v11 =	vsel vm5, $0xA00, v11  }
0x12: {  	v12 =	vsel vm5, $0xB00, v12;
	v13 =	vsel vm5, $0xC00, v13;
	v14 =	vsel vm5, $0xD00, v14  }
0x13: {  	v15 =	vsel vm5, $0xE00, v15;
	v16 =	vsel vm5, $0xF00, v16;
	v17 =	vsel vm5, $0x108, v17  }
0x14: {  	v18 =	vsel vm5, $0x208, v18;
	v19 =	vsel vm5, $0x308, v19;
	v20 =	vsel vm5, $0x408, v20  }
0x15: {  	v21 =	vsel vm5, $0x508, v21;
	v22 =	vsel vm5, $0x608, v22;
	v23 =	vsel vm5, $0x708, v23  }
0x16: {  	v24 =	vsel vm5, $0x808, v24;
	v25 =	vsel vm5, $0x908, v25;
	v26 =	vsel vm5, $0xA08, v26  }
0x17: {  	v27 =	vsel vm5, $0xB08, v27;
	v28 =	vsel vm5, $0xC08, v28;
	v29 =	vsel vm5, $0xD08, v29  }
0x18: {  	v30 =	vsel vm5, $0xE08, v30;
	v31 =	vsel vm5, $0xF08, v31;
	v32 =	vunpack.c.l.s4.s8 v32  }
0x19: {  	v1 =	vsel vm3, $0x101, v1;
	v6 =	vsel vm3, $0x501, v6;
	v7 =	vsel vm3, $0x601, v7  }
0x1a: {  	v8 =	vsel vm3, $0x701, v8;
	v9 =	vsel vm3, $0x801, v9;
	v10 =	vsel vm3, $0x901, v10  }
0x1b: {  	v11 =	vsel vm3, $0xA01, v11;
	v12 =	vsel vm3, $0xB01, v12;
	v13 =	vsel vm3, $0xC01, v13  }
0x1c: {  	v14 =	vsel vm3, $0xD01, v14;
	v15 =	vsel vm3, $0xE01, v15;
	v16 =	vsel vm3, $0xF01, v16  }
0x1d: {  	v17 =	vsel vm3, $0x109, v17;
	v18 =	vsel vm3, $0x209, v18;
	v19 =	vsel vm3, $0x309, v19  }
0x1e: {  	v20 =	vsel vm3, $0x409, v20;
	v21 =	vsel vm3, $0x509, v21;
	v22 =	vsel vm3, $0x609, v22  }
0x1f: {  	v23 =	vsel vm3, $0x709, v23;
	v24 =	vsel vm3, $0x809, v24;
	v25 =	vsel vm3, $0x909, v25  }
0x20: {  	v26 =	vsel vm3, $0xA09, v26;
	v27 =	vsel vm3, $0xB09, v27;
	v28 =	vsel vm3, $0xC09, v28  }
0x21: {  	v29 =	vsel vm3, $0xD09, v29;
	v30 =	vsel vm3, $0xE09, v30;
	v31 =	vsel vm3, $0xF09, v31  }
0x22: {  	v1 =	vsel vm4, $0x102, v1;
	v4 =	vsel vm0, v2, v0;
	v3 =	vsel vm0, v5, v3  }
0x23: {  	vm0 =	vcmask $0x1714;
	v2 =	vimm.s32 $0x387;
	v5 =	vimm.s32 $0x487  }
0x24: {  	v6 =	vsel vm4, $0x502, v6;
	v7 =	vsel vm4, $0x602, v7;
	v8 =	vsel vm4, $0x702, v8  }
0x25: {  	v9 =	vsel vm4, $0x802, v9;
	v10 =	vsel vm4, $0x902, v10;
	v11 =	vsel vm4, $0xA02, v11  }
0x26: {  	v12 =	vsel vm4, $0xB02, v12;
	v13 =	vsel vm4, $0xC02, v13;
	v14 =	vsel vm4, $0xD02, v14  }
0x27: {  	v15 =	vsel vm4, $0xE02, v15;
	v16 =	vsel vm4, $0xF02, v16;
	v17 =	vsel vm4, $0x10A, v17  }
0x28: {  	v18 =	vsel vm4, $0x20A, v18;
	v19 =	vsel vm4, $0x30A, v19;
	v20 =	vsel vm4, $0x40A, v20  }
0x29: {  	v21 =	vsel vm4, $0x50A, v21;
	v22 =	vsel vm4, $0x60A, v22;
	v23 =	vsel vm4, $0x70A, v23  }
0x2a: {  	v24 =	vsel vm4, $0x80A, v24;
	v25 =	vsel vm4, $0x90A, v25;
	v26 =	vsel vm4, $0xA0A, v26  }
0x2b: {  	v27 =	vsel vm4, $0xB0A, v27;
	v28 =	vsel vm4, $0xC0A, v28;
	v29 =	vsel vm4, $0xD0A, v29  }
0x2c: {  	v30 =	vsel vm4, $0xE0A, v30;
	v31 =	vsel vm4, $0xF0A, v31;
	v1 =	vsel vm2, $0x103, v1  }
0x2d: {  	v2 =	vsel vm5, $0x300, v2;
	v5 =	vsel vm5, $0x400, v5;
	v6 =	vsel vm2, $0x503, v6  }
0x2e: {  	v7 =	vsel vm2, $0x603, v7;
	v8 =	vsel vm2, $0x703, v8;
	v9 =	vsel vm2, $0x803, v9  }
0x2f: {  	v10 =	vsel vm2, $0x903, v10;
	v11 =	vsel vm2, $0xA03, v11;
	v12 =	vsel vm2, $0xB03, v12  }
0x30: {  	v13 =	vsel vm2, $0xC03, v13;
	v14 =	vsel vm2, $0xD03, v14;
	v15 =	vsel vm2, $0xE03, v15  }
0x31: {  	v16 =	vsel vm2, $0xF03, v16;
	v17 =	vsel vm2, $0x10B, v17;
	v18 =	vsel vm2, $0x20B, v18  }
0x32: {  	v19 =	vsel vm2, $0x30B, v19;
	v20 =	vsel vm2, $0x40B, v20;
	v21 =	vsel vm2, $0x50B, v21  }
0x33: {  	v22 =	vsel vm2, $0x60B, v22;
	v23 =	vsel vm2, $0x70B, v23;
	v24 =	vsel vm2, $0x80B, v24  }
0x34: {  	v25 =	vsel vm2, $0x90B, v25;
	v26 =	vsel vm2, $0xA0B, v26;
	v27 =	vsel vm2, $0xB0B, v27  }
0x35: {  	v28 =	vsel vm2, $0xC0B, v28;
	v29 =	vsel vm2, $0xD0B, v29;
	v30 =	vsel vm2, $0xE0B, v30  }
0x36: {  	v31 =	vsel vm2, $0xF0B, v31;
	v0 =	vsel vm1, $0x104, v1;
	v1 =	vimm.s32 $0x287  }
0x37: {  	v2 =	vsel vm3, $0x301, v2;
	v5 =	vsel vm3, $0x401, v5;
	v6 =	vsel vm1, $0x504, v6  }
0x38: {  	v7 =	vsel vm1, $0x604, v7;
	v8 =	vsel vm1, $0x704, v8;
	v9 =	vsel vm1, $0x804, v9  }
0x39: {  	v10 =	vsel vm1, $0x904, v10;
	v11 =	vsel vm1, $0xA04, v11;
	v12 =	vsel vm1, $0xB04, v12  }
0x3a: {  	v13 =	vsel vm1, $0xC04, v13;
	v14 =	vsel vm1, $0xD04, v14;
	v15 =	vsel vm1, $0xE04, v15  }
0x3b: {  	v16 =	vsel vm1, $0xF04, v16;
	v17 =	vsel vm1, $0x10C, v17;
	v18 =	vsel vm1, $0x20C, v18  }
0x3c: {  	v19 =	vsel vm1, $0x30C, v19;
	v20 =	vsel vm1, $0x40C, v20;
	v21 =	vsel vm1, $0x50C, v21  }
0x3d: {  	v22 =	vsel vm1, $0x60C, v22;
	v23 =	vsel vm1, $0x70C, v23;
	v24 =	vsel vm1, $0x80C, v24  }
0x3e: {  	v25 =	vsel vm1, $0x90C, v25;
	v26 =	vsel vm1, $0xA0C, v26;
	v27 =	vsel vm1, $0xB0C, v27  }
0x3f: {  	v28 =	vsel vm1, $0xC0C, v28;
	v29 =	vsel vm1, $0xD0C, v29;
	v30 =	vsel vm1, $0xE0C, v30  }
0x40: {  	v31 =	vsel vm1, $0xF0C, v31;
	v1 =	vsel vm5, $0x200, v1;
	v0 =	vsel vm0, $0x105, v0  }
0x41: {  	v2 =	vsel vm4, $0x302, v2;
	v5 =	vsel vm4, $0x402, v5;
	v6 =	vsel vm0, $0x505, v6  }
0x42: {  	v7 =	vsel vm0, $0x605, v7;
	v8 =	vsel vm0, $0x705, v8;
	v9 =	vsel vm0, $0x805, v9  }
0x43: {  	v10 =	vsel vm0, $0x905, v10;
	v11 =	vsel vm0, $0xA05, v11;
	v12 =	vsel vm0, $0xB05, v12  }
0x44: {  	v13 =	vsel vm0, $0xC05, v13;
	v14 =	vsel vm0, $0xD05, v14;
	v15 =	vsel vm0, $0xE05, v15  }
0x45: {  	v16 =	vsel vm0, $0xF05, v16;
	v17 =	vsel vm0, $0x10D, v17;
	v18 =	vsel vm0, $0x20D, v18  }
0x46: {  	v19 =	vsel vm0, $0x30D, v19;
	v20 =	vsel vm0, $0x40D, v20;
	v21 =	vsel vm0, $0x50D, v21  }
0x47: {  	v22 =	vsel vm0, $0x60D, v22;
	v23 =	vsel vm0, $0x70D, v23;
	v24 =	vsel vm0, $0x80D, v24  }
0x48: {  	v25 =	vsel vm0, $0x90D, v25;
	v26 =	vsel vm0, $0xA0D, v26;
	v27 =	vsel vm0, $0xB0D, v27  }
0x49: {  	v28 =	vsel vm0, $0xC0D, v28;
	v29 =	vsel vm0, $0xD0D, v29;
	v30 =	vsel vm0, $0xE0D, v30  }
0x4a: {  	v31 =	vsel vm0, $0xF0D, v31;
	v1 =	vsel vm3, $0x201, v1;
	vm3 =	vcmask $0x1B18  }
0x4b: {  	v2 =	vsel vm2, $0x303, v2;
	v5 =	vsel vm2, $0x403, v5;
	v1 =	vsel vm4, $0x202, v1  }
0x4c: {  	v0 =	vsel vm3, $0x106, v0;
	v2 =	vsel vm1, $0x304, v2;
	v5 =	vsel vm1, $0x404, v5  }
0x4d: {  	v6 =	vsel vm3, $0x506, v6;
	v7 =	vsel vm3, $0x606, v7;
	v8 =	vsel vm3, $0x706, v8  }
0x4e: {  	v9 =	vsel vm3, $0x806, v9;
	v10 =	vsel vm3, $0x906, v10;
	v11 =	vsel vm3, $0xA06, v11  }
0x4f: {  	v12 =	vsel vm3, $0xB06, v12;
	v13 =	vsel vm3, $0xC06, v13;
	v14 =	vsel vm3, $0xD06, v14  }
0x50: {  	v15 =	vsel vm3, $0xE06, v15;
	v16 =	vsel vm3, $0xF06, v16;
	v17 =	vsel vm3, $0x10E, v17  }
0x51: {  	v18 =	vsel vm3, $0x20E, v18;
	v19 =	vsel vm3, $0x30E, v19;
	v20 =	vsel vm3, $0x40E, v20  }
0x52: {  	v21 =	vsel vm3, $0x50E, v21;
	v22 =	vsel vm3, $0x60E, v22;
	v23 =	vsel vm3, $0x70E, v23  }
0x53: {  	v24 =	vsel vm3, $0x80E, v24;
	v25 =	vsel vm3, $0x90E, v25;
	v26 =	vsel vm3, $0xA0E, v26  }
0x54: {  	v27 =	vsel vm3, $0xB0E, v27;
	v28 =	vsel vm3, $0xC0E, v28;
	v29 =	vsel vm3, $0xD0E, v29  }
0x55: {  	v30 =	vsel vm3, $0xE0E, v30;
	v31 =	vsel vm3, $0xF0E, v31;
	v1 =	vsel vm2, $0x203, v1  }
0x56: {  	vm2 =	vcmask $0x1F1C;
	v2 =	vsel vm0, $0x305, v2;
	v5 =	vsel vm0, $0x405, v5  }
0x57: {  	v1 =	vsel vm1, $0x204, v1;
	v0 =	vsel vm2, $0x107, v0;
	v2 =	vsel vm3, $0x306, v2  }
0x58: {  	v5 =	vsel vm3, $0x406, v5;
	v6 =	vsel vm2, $0x507, v6;
	v7 =	vsel vm2, $0x607, v7  }
0x59: {  	v8 =	vsel vm2, $0x707, v8;
	v9 =	vsel vm2, $0x807, v9;
	v10 =	vsel vm2, $0x907, v10  }
0x5a: {  	v11 =	vsel vm2, $0xA07, v11;
	v12 =	vsel vm2, $0xB07, v12;
	v13 =	vsel vm2, $0xC07, v13  }
0x5b: {  	v14 =	vsel vm2, $0xD07, v14;
	v15 =	vsel vm2, $0xE07, v15;
	v16 =	vsel vm2, $0xF07, v16  }
0x5c: {  	v17 =	vsel vm2, $0x10F, v17;
	v18 =	vsel vm2, $0x20F, v18;
	v19 =	vsel vm2, $0x30F, v19  }
0x5d: {  	v20 =	vsel vm2, $0x40F, v20;
	v21 =	vsel vm2, $0x50F, v21;
	v22 =	vsel vm2, $0x60F, v22  }
0x5e: {  	v23 =	vsel vm2, $0x70F, v23;
	v24 =	vsel vm2, $0x80F, v24;
	v25 =	vsel vm2, $0x90F, v25  }
0x5f: {  	v26 =	vsel vm2, $0xA0F, v26;
	v27 =	vsel vm2, $0xB0F, v27;
	v28 =	vsel vm2, $0xC0F, v28  }
0x60: {  	v29 =	vsel vm2, $0xD0F, v29;
	v30 =	vsel vm2, $0xE0F, v30;
	v31 =	vsel vm2, $0xF0F, v31  }
0x61: {  	vm1 =	vcmask $0x2724;
	v1 =	vsel vm0, $0x205, v1;
	vm0 =	vcmask $0x2320  }
0x62: {  	v2 =	vsel vm2, $0x307, v2;
	v5 =	vsel vm2, $0x407, v5;
	v1 =	vsel vm3, $0x206, v1  }
0x63: {  	v0 =	vsel vm0, $0x180, v0;
	v2 =	vsel vm0, $0x380, v2;
	v5 =	vsel vm0, $0x480, v5  }
0x64: {  	v6 =	vsel vm0, $0x580, v6;
	v7 =	vsel vm0, $0x680, v7;
	v8 =	vsel vm0, $0x780, v8  }
0x65: {  	v9 =	vsel vm0, $0x880, v9;
	v10 =	vsel vm0, $0x980, v10;
	v11 =	vsel vm0, $0xA80, v11  }
0x66: {  	v12 =	vsel vm0, $0xB80, v12;
	v13 =	vsel vm0, $0xC80, v13;
	v14 =	vsel vm0, $0xD80, v14  }
0x67: {  	v15 =	vsel vm0, $0xE80, v15;
	v16 =	vsel vm0, $0xF80, v16;
	v17 =	vsel vm0, $0x188, v17  }
0x68: {  	v18 =	vsel vm0, $0x288, v18;
	v19 =	vsel vm0, $0x388, v19;
	v20 =	vsel vm0, $0x488, v20  }
0x69: {  	v21 =	vsel vm0, $0x588, v21;
	v22 =	vsel vm0, $0x688, v22;
	v23 =	vsel vm0, $0x788, v23  }
0x6a: {  	v24 =	vsel vm0, $0x888, v24;
	v25 =	vsel vm0, $0x988, v25;
	v26 =	vsel vm0, $0xA88, v26  }
0x6b: {  	v27 =	vsel vm0, $0xB88, v27;
	v28 =	vsel vm0, $0xC88, v28;
	v29 =	vsel vm0, $0xD88, v29  }
0x6c: {  	v30 =	vsel vm0, $0xE88, v30;
	v31 =	vsel vm0, $0xF88, v31;
	v1 =	vsel vm2, $0x207, v1  }
0x6d: {  	v0 =	vsel vm1, $0x181, v0;
	v2 =	vsel vm1, $0x381, v2;
	v5 =	vsel vm1, $0x481, v5  }
0x6e: {  	v6 =	vsel vm1, $0x581, v6;
	v7 =	vsel vm1, $0x681, v7;
	v8 =	vsel vm1, $0x781, v8  }
0x6f: {  	v9 =	vsel vm1, $0x881, v9;
	v10 =	vsel vm1, $0x981, v10;
	v11 =	vsel vm1, $0xA81, v11  }
0x70: {  	v12 =	vsel vm1, $0xB81, v12;
	v13 =	vsel vm1, $0xC81, v13;
	v14 =	vsel vm1, $0xD81, v14  }
0x71: {  	v15 =	vsel vm1, $0xE81, v15;
	v16 =	vsel vm1, $0xF81, v16;
	v17 =	vsel vm1, $0x189, v17  }
0x72: {  	v18 =	vsel vm1, $0x289, v18;
	v19 =	vsel vm1, $0x389, v19;
	v20 =	vsel vm1, $0x489, v20  }
0x73: {  	v21 =	vsel vm1, $0x589, v21;
	v22 =	vsel vm1, $0x689, v22;
	v23 =	vsel vm1, $0x789, v23  }
0x74: {  	v24 =	vsel vm1, $0x889, v24;
	v25 =	vsel vm1, $0x989, v25;
	v26 =	vsel vm1, $0xA89, v26  }
0x75: {  	v27 =	vsel vm1, $0xB89, v27;
	v28 =	vsel vm1, $0xC89, v28;
	v29 =	vsel vm1, $0xD89, v29  }
0x76: {  	v30 =	vsel vm1, $0xE89, v30;
	v1 =	vsel vm0, $0x280, v1;
	vm0 =	vcmask $0x2B28  }
0x77: {  	v31 =	vsel vm1, $0xF89, v31;
	v1 =	vsel vm1, $0x281, v1;
	v33 =	vsel vm0, $0x182, v0  }
0x78: {  	v2 =	vsel vm0, $0x382, v2;
	v5 =	vsel vm0, $0x482, v5;
	v6 =	vsel vm0, $0x582, v6  }
0x79: {  	v7 =	vsel vm0, $0x682, v7;
	v8 =	vsel vm0, $0x782, v8;
	v9 =	vsel vm0, $0x882, v9  }
0x7a: {  	v10 =	vsel vm0, $0x982, v10;
	v11 =	vsel vm0, $0xA82, v11;
	v12 =	vsel vm0, $0xB82, v12  }
0x7b: {  	v13 =	vsel vm0, $0xC82, v13;
	v14 =	vsel vm0, $0xD82, v14;
	v15 =	vsel vm0, $0xE82, v15  }
0x7c: {  	v16 =	vsel vm0, $0xF82, v16;
	v17 =	vsel vm0, $0x18A, v17;
	v18 =	vsel vm0, $0x28A, v18  }
0x7d: {  	v19 =	vsel vm0, $0x38A, v19;
	v20 =	vsel vm0, $0x48A, v20;
	v21 =	vsel vm0, $0x58A, v21  }
0x7e: {  	v22 =	vsel vm0, $0x68A, v22;
	v23 =	vsel vm0, $0x78A, v23;
	v24 =	vsel vm0, $0x88A, v24  }
0x7f: {  	v25 =	vsel vm0, $0x98A, v25;
	v26 =	vsel vm0, $0xA8A, v26;
	v27 =	vsel vm0, $0xB8A, v27  }
0x80: {  	v28 =	vsel vm0, $0xC8A, v28;
	v29 =	vsel vm0, $0xD8A, v29;
	v30 =	vsel vm0, $0xE8A, v30  }
0x81: {  	v31 =	vsel vm0, $0xF8A, v31;
	v1 =	vsel vm0, $0x282, v1;
	vm0 =	vcmask $0x2F2C  }
0x82: {  	v34 =	vlaneseq.u32;
	v32 =	vunpack.c.0.s8.s32 v32;
	v33 =	vsel vm0, $0x183, v33  }
0x83: {  	v35 =	vsel vm0, $0x283, v1;
	v2 =	vsel vm0, $0x383, v2;
	v5 =	vsel vm0, $0x483, v5  }
0x84: {  	v6 =	vsel vm0, $0x583, v6;
	v7 =	vsel vm0, $0x683, v7;
	v8 =	vsel vm0, $0x783, v8  }
0x85: {  	v9 =	vsel vm0, $0x883, v9;
	v10 =	vsel vm0, $0x983, v10;
	v11 =	vsel vm0, $0xA83, v11  }
0x86: {  	v12 =	vsel vm0, $0xB83, v12;
	v13 =	vsel vm0, $0xC83, v13;
	v14 =	vsel vm0, $0xD83, v14  }
0x87: {  	v15 =	vsel vm0, $0xE83, v15;
	v16 =	vsel vm0, $0xF83, v16;
	v17 =	vsel vm0, $0x18B, v17  }
0x88: {  	v18 =	vsel vm0, $0x28B, v18;
	v19 =	vsel vm0, $0x38B, v19;
	v20 =	vsel vm0, $0x48B, v20  }
0x89: {  	v21 =	vsel vm0, $0x58B, v21;
	v22 =	vsel vm0, $0x68B, v22;
	v23 =	vsel vm0, $0x78B, v23  }
0x8a: {  	v24 =	vsel vm0, $0x88B, v24;
	v25 =	vsel vm0, $0x98B, v25;
	v26 =	vsel vm0, $0xA8B, v26  }
0x8b: {  	v27 =	vsel vm0, $0xB8B, v27;
	v28 =	vsel vm0, $0xC8B, v28;
	v29 =	vsel vm0, $0xD8B, v29  }
0x8c: {  	v30 =	vsel vm0, $0xE8B, v30;
	v31 =	vsel vm0, $0xF8B, v31;
	vm0 =	vcmask $0x3330  }
0x8d: {  	v0 =	vand.u32 $0x7, v34;
	v1 =	vshrl.u32 v34, $0x3;
	v33 =	vsel vm0, $0x184, v33  }
0x8e: {  	v36 =	vsel vm0, $0x284, v35;
	v37 =	vsel vm0, $0x384, v2;
	v5 =	vsel vm0, $0x484, v5  }
0x8f: {  	s3 =	rddreg [dreg:$0x0];
	v6 =	vsel vm0, $0x584, v6;
	v7 =	vsel vm0, $0x684, v7;
	v8 =	vsel vm0, $0x784, v8  }
0x90: {  	s2 =	rddreg [dreg:$0x1];
	v9 =	vsel vm0, $0x884, v9;
	v10 =	vsel vm0, $0x984, v10;
	v11 =	vsel vm0, $0xA84, v11  }
0x91: {  	s0 =	rddreg [dreg:$0x2];
	v12 =	vsel vm0, $0xB84, v12;
	v13 =	vsel vm0, $0xC84, v13;
	v14 =	vsel vm0, $0xD84, v14  }
0x92: {  	s1 =	rddreg [dreg:$0x3];
	v15 =	vsel vm0, $0xE84, v15;
	v16 =	vsel vm0, $0xF84, v16;
	v17 =	vsel vm0, $0x18C, v17  }
0x93: {  	s4 =	srdreg.scid;
	s7 =	stileid.u32;
	v18 =	vsel vm0, $0x28C, v18;
	v19 =	vsel vm0, $0x38C, v19;
	v20 =	vsel vm0, $0x48C, v20  }
0x94: {  	s5 =	rddreg [dreg:$0x4];
	s6 =	sand.u32 $0x1, s4;
	s4 =	simm.s32 $0x0;
	v21 =	vsel vm0, $0x58C, v21;
	v22 =	vsel vm0, $0x68C, v22;
	v23 =	vsel vm0, $0x78C, v23  }
0x95: {  	s11 =	simm.s32 $0x11D00;
	s10 =	sadd.s32 $0xE00, s2;
	[smem:$0x7FF] =	sst s4;
	v24 =	vsel vm0, $0x88C, v24;
	v25 =	vsel vm0, $0x98C, v25;
	v26 =	vsel vm0, $0xA8C, v26  }
0x96: {  	s12 =	simm.s32 $0x12500;
	_ =	strace $0x80000047;
	[dreg:$0x6] =	wrdreg s10;
	v27 =	vsel vm0, $0xB8C, v27;
	v28 =	vsel vm0, $0xC8C, v28;
	v29 =	vsel vm0, $0xD8C, v29  }
0x97: {  	s13 =	simm.s32 $0x12D00;
	s7 =	sshll.u32 s7, $0x1;
	[dreg:$0x13] =	wrdreg s11;
	v30 =	vsel vm0, $0xE8C, v30;
	v31 =	vsel vm0, $0xF8C, v31;
	vm0 =	vcmask $0x3734  }
0x98: {  	s14 =	simm.s32 $0x13500;
	s7 =	sor.u32 s6, s7;
	[dreg:$0x14] =	wrdreg s12;
	v34 =	vor.u32 $0x8, v34;
	v35 =	vcombine.low v32, v4;
	v4 =	vsel vm0, $0x185, v33  }
0x99: {  	s25 =	ssub.s32 $0x2, s6;
	s8 =	sshll.u32 s7, $0x2;
	[dreg:$0x15] =	wrdreg s13;
	v32 =	vsel vm0, $0x285, v36;
	v33 =	vsel vm0, $0x385, v37;
	v36 =	vsel vm0, $0x485, v5  }
0x9a: {  	s15 =	sshll.u32 s7, $0xB;
	s10 =	simm.s32 $0x100;
	[dreg:$0x16] =	wrdreg s14;
	v37 =	vsel vm0, $0x585, v6;
	v38 =	vsel vm0, $0x685, v7;
	v39 =	vsel vm0, $0x785, v8  }
0x9b: {  	s17 =	sshll.u32 s7, $0x5;
	s3 =	sadd.s32 s3, s8;
	[dreg:$0x12] =	wrdreg s10;
	v40 =	vsel vm0, $0x885, v9;
	v41 =	vsel vm0, $0x985, v10;
	v42 =	vsel vm0, $0xA85, v11  }
0x9c: {  	s20 =	sshll.u32 s7, $0xE;
	s19 =	sadd.s32 s5, s17;
	[dreg:$0x7] =	wrdreg s3;
	v43 =	vsel vm0, $0xB85, v12;
	v44 =	vsel vm0, $0xC85, v13;
	v45 =	vsel vm0, $0xD85, v14  }
0x9d: {  	s9 =	sadd.s32 s8, s2;
	s8 =	simm.s32 $0x80;
	[dreg:$0x9] =	wrdreg s19;
	v46 =	vsel vm0, $0xE85, v15;
	v47 =	vsel vm0, $0xF85, v16;
	v48 =	vsel vm0, $0x18D, v17  }
0x9e: {  	s18 =	sadd.s32 s15, s2;
	s15 =	simm.s32 $0x13D00;
	[dreg:$0x10] =	wrdreg s8;
	v49 =	vsel vm0, $0x28D, v18;
	v50 =	vsel vm0, $0x38D, v19;
	v51 =	vsel vm0, $0x48D, v20  }
0x9f: {  	s6 =	sshrl.u32 s25, $0x1;
	s17 =	simm.s32 $0x14D00;
	[dreg:$0x17] =	wrdreg s15;
	v52 =	vsel vm0, $0x58D, v21;
	v53 =	vsel vm0, $0x68D, v22;
	v54 =	vsel vm0, $0x78D, v23  }
0xa0: {  	s2 =	sadd.s32 s20, s2;
	s20 =	simm.s32 $0x16500;
	[dreg:$0x19] =	wrdreg s17;
	v55 =	vsel vm0, $0x88D, v24;
	v56 =	vsel vm0, $0x98D, v25;
	v57 =	vsel vm0, $0xA8D, v26  }
0xa1: {  	s7 =	ssub.s32 s25, s6;
	s25 =	simm.s32 $0x18D00;
	[dreg:$0x1c] =	wrdreg s20;
	v58 =	vsel vm0, $0xB8D, v27;
	v59 =	vsel vm0, $0xC8D, v28;
	v60 =	vsel vm0, $0xD8D, v29  }
0xa2: {  	s16 =	sadd.s32 $0x19600, s9;
	[smem:$0x7FC] =	sst s25;
	v61 =	vsel vm0, $0xE8D, v30;
	v62 =	vsel vm0, $0xF8D, v31;
	vm0 =	vcmask $0x3B38  }
0xa3: {  	s28 =	simm.s32 $0x180;
	s21 =	sadd.s32 $0x99800, s18;
	[dreg:$0x8] =	wrdreg s16;
	v2 =	vmul.u32 $0x8, v1;
	v4 =	vsel vm0, $0x186, v4;
	v5 =	vsel vm0, $0x286, v32  }
0xa4: {  	s31 =	simm.s32 $0x5;
	s22 =	sadd.s32 $0xA9800, s18;
	[dreg:$0xa] =	wrdreg s21;
	v6 =	vsel vm0, $0x386, v33;
	v7 =	vsel vm0, $0x486, v36;
	v8 =	vsel vm0, $0x586, v37  }
0xa5: {  	s29 =	simm.s32 $0x1500;
	s23 =	sadd.s32 $0x19800, s2;
	[dreg:$0xb] =	wrdreg s22;
	v9 =	vsel vm0, $0x686, v38;
	v10 =	vsel vm0, $0x786, v39;
	v11 =	vsel vm0, $0x886, v40  }
0xa6: {  	s30 =	simm.s32 $0x10500;
	s24 =	sadd.s32 $0x1A800, s2;
	[dreg:$0xc] =	wrdreg s23;
	v12 =	vsel vm0, $0x986, v41;
	v13 =	vsel vm0, $0xA86, v42;
	v14 =	vsel vm0, $0xB86, v43  }
0xa7: {  	s5 =	sadd.s32 $0x100, s0;
	s26 =	sadd.s32 $0x1B800, s2;
	[dreg:$0xd] =	wrdreg s24;
	v15 =	vsel vm0, $0xC86, v44;
	v16 =	vsel vm0, $0xD86, v45;
	v17 =	vsel vm0, $0xE86, v46  }
0xa8: {  	s6 =	sadd.s32 $0x100, s1;
	s2 =	sadd.s32 $0x1C800, s2;
	[dreg:$0xe] =	wrdreg s26;
	v18 =	vsel vm0, $0xF86, v47;
	v47 =	vimm.s32 $0xFEDCBA98;
	v19 =	vsel vm0, $0x18E, v48  }
0xa9: {  	s10 =	simm.s32 $0x9;
	s9 =	simm.s32 $0x20;
	[dreg:$0xf] =	wrdreg s2;
	v20 =	vsel vm0, $0x28E, v49;
	v21 =	vsel vm0, $0x38E, v50;
	v22 =	vsel vm0, $0x48E, v51  }
0xaa: {  	s7 =	smax.u32 s7, $0x1;
	s18 =	simm.s32 $0x15500;
	[dreg:$0x11] =	wrdreg s9;
	v23 =	vsel vm0, $0x58E, v52;
	v24 =	vsel vm0, $0x68E, v53;
	v25 =	vsel vm0, $0x78E, v54  }
0xab: {  	s19 =	simm.s32 $0x15D00;
	s25 =	simm.s32 $0x3;
	[dreg:$0x1a] =	wrdreg s18;
	v26 =	vsel vm0, $0x88E, v55;
	v27 =	vsel vm0, $0x98E, v56;
	v28 =	vsel vm0, $0xA8E, v57  }
0xac: {  	s3 =	simm.s32 $0x6;
	s16 =	simm.s32 $0x14500;
	[dreg:$0x1b] =	wrdreg s19;
	v29 =	vsel vm0, $0xB8E, v58;
	v30 =	vsel vm0, $0xC8E, v59;
	v31 =	vsel vm0, $0xD8E, v60  }
0xad: {  	s8 =	simm.s32 $0x9500;
	s21 =	simm.s32 $0x16D00;
	[dreg:$0x18] =	wrdreg s16;
	v32 =	vsel vm0, $0xE8E, v61;
	v33 =	vsel vm0, $0xF8E, v62;
	v60 =	vunpack.c.l.s4.s8 v47  }
0xae: {  	s15 =	simm.s32 $0xB500;
	s22 =	simm.s32 $0x17500;
	[dreg:$0x1d] =	wrdreg s21;
	vm0 =	vmmov $0xffff;
	v35 =	vand.u32 $0xFF, v35;
	v36 =	vor.u32 $0x2, v1  }
0xaf: {  	s17 =	simm.s32 $0xC500;
	s23 =	simm.s32 $0x17D00;
	[dreg:$0x1e] =	wrdreg s22;
	v37 =	vor.u32 $0x4, v1;
	v38 =	vor.u32 $0x6, v1;
	v61 =	vunpack.c.0.s8.s32 v60  }
0xb0: {  	s20 =	simm.s32 $0xDD00;
	s24 =	simm.s32 $0x18500;
	[dreg:$0x1f] =	wrdreg s23;
	v39 =	vor.u32 $0x8, v1;
	v40 =	vor.u32 $0xA, v1;
	v41 =	vor.u32 $0xC, v1  }
0xb1: {  	s9 =	simm.s32 $0x200;
	s26 =	simm.s32 $0x1400;
	[smem:$0x7FB] =	sst s24;
	v42 =	vor.u32 $0xE, v1;
	v43 =	vor.u32 $0x10, v1;
	v62 =	vand.u32 $0xF, v61  }
0xb2: {  	s18 =	simm.s32 $0xCD00;
	s19 =	simm.s32 $0xD500;
	[smem:$0x7FD] =	sst s26;
	v44 =	vor.u32 $0x12, v1;
	v45 =	vor.u32 $0x14, v1;
	v63 =	vcombine.low v62, v3  }
0xb3: {  	s24 =	simm.s32 $0x2;
	s16 =	simm.s32 $0xBD00;
	s21 =	simm.s32 $0xE500;
	v46 =	vor.u32 $0x18, v1;
	v48 =	vor.u32 $0x1C, v1;
	v49 =	vor.u32 $0x1E, v1  }
0xb4: {  	s22 =	simm.s32 $0xED00;
	s23 =	simm.s32 $0xF500;
	s26 =	simm.s32 $0xFD00;
	v47 =	vor.u32 $0x1A, v1;
	v3 =	vor.u32 $0x16, v1;
	v50 =	vand.u32 $0xFF, v63  }
.LBB2_1:
0xb5: {  	s12 =	rddreg [dreg:$0x7]  }
0xb6: {  	[tilespmem:s4], [sflag:$0x9] =	stream.linear.gather [hbm4b:s12+s4], $0x20, $0x38;
	[tilespmem:$0x19500] =	vst v63  }
0xb7: {  	_ =	swait.ge [sflag:s10], $0x20  }
0xb8: {  	s0 =	rddreg [dreg:$0x8];
	[sflag:s10] =	ssyncset.done $0x0  }
0xb9: {  	s13 =	rddreg [dreg:$0x10];
	[sflag:s10] =	ssyncadd.s32 $0xFFFFFFE0  }
0xba: {  	[tilespmem:s13], [sflag:$0x9] =	stream.linear.gather [hbm4b:s0+s4], $0x20, $0x38;
	[tilespmem:$0x19500] =	vst v63  }
0xbb: {  	_ =	swait.ge [sflag:s10], $0x20  }
0xbc: {  	[sflag:s10] =	ssyncset.done $0x0  }
0xbd: {  	[sflag:s10] =	ssyncadd.s32 $0xFFFFFFE0  }
0xbe: {  	v51 =	vld [tilespmem:$0x80]  }
0xbf: {  	v52 =	vld [tilespmem:$0x90];
	_ =	sdelay $0x3  }
0xc0: {  	v53 =	vshrl.u32 v51, $0x3  }
0xc1: {  	v51 =	vshll.u32 v51, $0x4;
	v61 =	vshrl.u32 v52, $0x3;
	[tilespmem:$0x100] =	vst v53  }
0xc2: {  	s2 =	rddreg [dreg:$0x6];
	v52 =	vshll.u32 v52, $0x4;
	v51 =	vand.u32 $0x70, v51;
	[tilespmem:$0x110] =	vst v61  }
0xc3: {  	s11 =	rddreg [dreg:$0x11];
	v62 =	vand.u32 $0x70, v52;
	[tilespmem:$0x180] =	vst v51  }
0xc4: {  	s14 =	rddreg [dreg:$0x12];
	[tilespmem:$0x190] =	vst v62  }
0xc5: {  	[tilespmem:s9], [sflag:$0x1] =	stream.indirect.gather [hbm4b:s2+s11], $0x80, s14, s11, $0xb8;
	[tilespmem:$0x19500] =	vst v63  }
0xc6: {  	v63 =	vld [tilespmem:$0x0];
	_ =	sdelay $0x4  }
0xc7: {  	v56 =	vshll.u32 v63, $0x2  }
0xc8: {  	v51 =	vand.u32 $0x7, v63;
	v52 =	vand.u32 $0xFFFFFFE0, v56  }
0xc9: {  	v51 =	vor.u32 v51, v52  }
0xca: {  	v52 =	vperm.xlane v51, v0;
	_ =	sdelay $0x1  }
0xcb: {  	v52 =	vadd.s32 v2, v52;
	_ =	sdelay $0x1  }
0xcc: {  	v51 =	vperm.xlane v51, v34;
	_ =	sdelay $0x1  }
0xcd: {  	s0 =	rddreg [dreg:$0x2];
	v51 =	vadd.s32 v2, v51  }
0xce: {  	[tilespmem:s29], [sflag:$0x2] =	stream.indirect_vreg.gather [hbm4b:s0+s4], $0x80, v52, vm0, $0xb8;
	[tilespmem:$0x19500] =	vst v63  }
0xcf: {  	s2 =	simm.s32 $0x1D00  }
0xd0: {  	[tilespmem:s2], [sflag:$0x2] =	stream.indirect_vreg.gather [hbm4b:s5+s4], $0x80, v52, vm0, $0xb8;
	[tilespmem:$0x19500] =	vst v63  }
0xd1: {  	s14 =	simm.s32 $0x2500  }
0xd2: {  	[tilespmem:s14], [sflag:$0x2] =	stream.indirect_vreg.gather [hbm4b:s0+s4], $0x80, v51, vm0, $0xb8;
	[tilespmem:$0x19500] =	vst v63  }
0xd3: {  	s11 =	simm.s32 $0x2D00  }
0xd4: {  	[tilespmem:s11], [sflag:$0x2] =	stream.indirect_vreg.gather [hbm4b:s5+s4], $0x80, v51, vm0, $0xb8;
	[tilespmem:$0x19500] =	vst v63  }
0xd5: {  	v51 =	vld [tilespmem:$0x10];
	_ =	sdelay $0x4  }
0xd6: {  	v57 =	vshll.u32 v51, $0x2  }
0xd7: {  	v51 =	vand.u32 $0x7, v51;
	v52 =	vand.u32 $0xFFFFFFE0, v57  }
0xd8: {  	v51 =	vor.u32 v51, v52  }
0xd9: {  	v52 =	vperm.xlane v51, v0;
	_ =	sdelay $0x1  }
0xda: {  	v52 =	vadd.s32 v2, v52;
	_ =	sdelay $0x1  }
0xdb: {  	v51 =	vperm.xlane v51, v34;
	_ =	sdelay $0x1  }
0xdc: {  	s12 =	simm.s32 $0x3500;
	v51 =	vadd.s32 v2, v51  }
0xdd: {  	[tilespmem:s12], [sflag:$0x2] =	stream.indirect_vreg.gather [hbm4b:s0+s4], $0x80, v52, vm0, $0xb8;
	[tilespmem:$0x19500] =	vst v63  }
0xde: {  	s13 =	simm.s32 $0x3D00  }
0xdf: {  	[tilespmem:s13], [sflag:$0x2] =	stream.indirect_vreg.gather [hbm4b:s5+s4], $0x80, v52, vm0, $0xb8;
	[tilespmem:$0x19500] =	vst v63  }
0xe0: {  	s14 =	simm.s32 $0x4500  }
0xe1: {  	[tilespmem:s14], [sflag:$0x2] =	stream.indirect_vreg.gather [hbm4b:s0+s4], $0x80, v51, vm0, $0xb8;
	[tilespmem:$0x19500] =	vst v63  }
0xe2: {  	s11 =	simm.s32 $0x4D00  }
0xe3: {  	[tilespmem:s11], [sflag:$0x2] =	stream.indirect_vreg.gather [hbm4b:s5+s4], $0x80, v51, vm0, $0xb8;
	[tilespmem:$0x19500] =	vst v63  }
0xe4: {  	v51 =	vld [tilespmem:$0x80];
	_ =	sdelay $0x4  }
0xe5: {  	v58 =	vshll.u32 v51, $0x2  }
0xe6: {  	v51 =	vand.u32 $0x7, v51;
	v52 =	vand.u32 $0xFFFFFFE0, v58  }
0xe7: {  	v51 =	vor.u32 v51, v52  }
0xe8: {  	v52 =	vperm.xlane v51, v0;
	_ =	sdelay $0x1  }
0xe9: {  	v52 =	vadd.s32 v2, v52;
	_ =	sdelay $0x1  }
0xea: {  	v51 =	vperm.xlane v51, v34;
	_ =	sdelay $0x1  }
0xeb: {  	s0 =	simm.s32 $0x5500;
	v51 =	vadd.s32 v2, v51  }
0xec: {  	[tilespmem:s0], [sflag:$0x2] =	stream.indirect_vreg.gather [hbm4b:s1+s4], $0x80, v52, vm0, $0xb8;
	[tilespmem:$0x19500] =	vst v63  }
0xed: {  	s12 =	simm.s32 $0x5D00  }
0xee: {  	[tilespmem:s12], [sflag:$0x2] =	stream.indirect_vreg.gather [hbm4b:s6+s4], $0x80, v52, vm0, $0xb8;
	[tilespmem:$0x19500] =	vst v63  }
0xef: {  	s13 =	simm.s32 $0x6500  }
0xf0: {  	[tilespmem:s13], [sflag:$0x2] =	stream.indirect_vreg.gather [hbm4b:s1+s4], $0x80, v51, vm0, $0xb8;
	[tilespmem:$0x19500] =	vst v63  }
0xf1: {  	s14 =	simm.s32 $0x6D00  }
0xf2: {  	[tilespmem:s14], [sflag:$0x2] =	stream.indirect_vreg.gather [hbm4b:s6+s4], $0x80, v51, vm0, $0xb8;
	[tilespmem:$0x19500] =	vst v63  }
0xf3: {  	v51 =	vld [tilespmem:$0x90];
	_ =	sdelay $0x4  }
0xf4: {  	v59 =	vshll.u32 v51, $0x2  }
0xf5: {  	v51 =	vand.u32 $0x7, v51;
	v52 =	vand.u32 $0xFFFFFFE0, v59  }
0xf6: {  	v51 =	vor.u32 v51, v52  }
0xf7: {  	v52 =	vperm.xlane v51, v0;
	_ =	sdelay $0x1  }
0xf8: {  	v52 =	vadd.s32 v2, v52;
	_ =	sdelay $0x1  }
0xf9: {  	v51 =	vperm.xlane v51, v34;
	_ =	sdelay $0x1  }
0xfa: {  	s11 =	simm.s32 $0x7500;
	v51 =	vadd.s32 v2, v51  }
0xfb: {  	[tilespmem:s11], [sflag:$0x2] =	stream.indirect_vreg.gather [hbm4b:s1+s4], $0x80, v52, vm0, $0xb8;
	[tilespmem:$0x19500] =	vst v63  }
0xfc: {  	s12 =	simm.s32 $0x7D00  }
0xfd: {  	[tilespmem:s12], [sflag:$0x2] =	stream.indirect_vreg.gather [hbm4b:s6+s4], $0x80, v52, vm0, $0xb8;
	[tilespmem:$0x19500] =	vst v63  }
0xfe: {  	s13 =	simm.s32 $0x8500  }
0xff: {  	[tilespmem:s13], [sflag:$0x2] =	stream.indirect_vreg.gather [hbm4b:s1+s4], $0x80, v51, vm0, $0xb8;
	[tilespmem:$0x19500] =	vst v63  }
0x100: {  	s14 =	simm.s32 $0x8D00;
	s11 =	simm.s32 $0x1  }
0x101: {  	[tilespmem:s14], [sflag:$0x2] =	stream.indirect_vreg.gather [hbm4b:s6+s4], $0x80, v51, vm0, $0xb8;
	[tilespmem:$0x19500] =	vst v63  }
0x102: {  	_ =	swait.ge [sflag:s11], $0x1000  }
0x103: {  	[sflag:s11] =	ssyncset.done $0x0  }
0x104: {  	[sflag:s11] =	ssyncadd.s32 $0xFFFFF000  }
0x105: {  	v60 =	vld.idx.msk [tilespmem:v1+s28+$0x0], $0xffff;
	_ =	sdelay $0x4  }
0x106: {  	v51 =	vadd.s32 v35, v60;
	_ =	sdelay $0x4  }
0x107: {  	v51 =	vld.idx.msk [tilespmem:v51+s9+$0x0], $0xffff;
	_ =	sdelay $0x4  }
0x108: {  	[tilespmem:$0x1200] =	vst v51  }
0x109: {  	v61 =	vld.idx.msk [tilespmem:v36+s28+$0x0], $0xffff;
	_ =	sdelay $0x4  }
0x10a: {  	v52 =	vadd.s32 v4, v61;
	_ =	sdelay $0x4  }
0x10b: {  	v52 =	vld.idx.msk [tilespmem:v52+s9+$0x0], $0xffff;
	_ =	sdelay $0x4  }
0x10c: {  	[tilespmem:$0x1210] =	vst v52  }
0x10d: {  	v52 =	vld.idx.msk [tilespmem:v37+s28+$0x0], $0xffff;
	_ =	sdelay $0x4  }
0x10e: {  	v52 =	vadd.s32 v5, v52;
	_ =	sdelay $0x4  }
0x10f: {  	v52 =	vld.idx.msk [tilespmem:v52+s9+$0x0], $0xffff;
	_ =	sdelay $0x4  }
0x110: {  	[tilespmem:$0x1220] =	vst v52  }
0x111: {  	v52 =	vld.idx.msk [tilespmem:v38+s28+$0x0], $0xffff;
	_ =	sdelay $0x4  }
0x112: {  	v52 =	vadd.s32 v6, v52  }
0x113: {  	v62 =	vshll.u32 v51, $0x2  }
0x114: {  	v51 =	vand.u32 $0x7, v51;
	v53 =	vand.u32 $0xFFFFFFE0, v62  }
0x115: {  	v51 =	vor.u32 v51, v53  }
0x116: {  	v53 =	vperm.xlane v51, v0  }
0x117: {  	v52 =	vld.idx.msk [tilespmem:v52+s9+$0x0], $0xffff  }
0x118: {  	v53 =	vadd.s32 v2, v53;
	_ =	sdelay $0x1  }
0x119: {  	v51 =	vperm.xlane v51, v34;
	_ =	sdelay $0x1  }
0x11a: {  	v51 =	vadd.s32 v2, v51;
	[tilespmem:$0x1230] =	vst v52  }
0x11b: {  	[tilespmem:s8], [sflag:$0x3] =	stream.indirect_vreg.gather [hbm4b:s1+s4], $0x80, v53, vm0, $0xb8;
	[tilespmem:$0x19500] =	vst v63  }
0x11c: {  	s12 =	simm.s32 $0x9D00  }
0x11d: {  	[tilespmem:s12], [sflag:$0x3] =	stream.indirect_vreg.gather [hbm4b:s6+s4], $0x80, v53, vm0, $0xb8;
	[tilespmem:$0x19500] =	vst v63  }
0x11e: {  	s2 =	simm.s32 $0xA500  }
0x11f: {  	[tilespmem:s2], [sflag:$0x3] =	stream.indirect_vreg.gather [hbm4b:s1+s4], $0x80, v51, vm0, $0xb8;
	[tilespmem:$0x19500] =	vst v63  }
0x120: {  	s14 =	simm.s32 $0xAD00  }
0x121: {  	[tilespmem:s14], [sflag:$0x3] =	stream.indirect_vreg.gather [hbm4b:s6+s4], $0x80, v51, vm0, $0xb8;
	[tilespmem:$0x19500] =	vst v63  }
0x122: {  	v51 =	vld [tilespmem:$0x1210];
	_ =	sdelay $0x4  }
0x123: {  	v63 =	vshll.u32 v51, $0x2  }
0x124: {  	v51 =	vand.u32 $0x7, v51;
	v52 =	vand.u32 $0xFFFFFFE0, v63  }
0x125: {  	v51 =	vor.u32 v51, v52  }
0x126: {  	v52 =	vperm.xlane v51, v0;
	_ =	sdelay $0x1  }
0x127: {  	v52 =	vadd.s32 v2, v52;
	_ =	sdelay $0x1  }
0x128: {  	v51 =	vperm.xlane v51, v34;
	_ =	sdelay $0x1  }
0x129: {  	v51 =	vadd.s32 v2, v51  }
0x12a: {  	[tilespmem:s15], [sflag:$0x3] =	stream.indirect_vreg.gather [hbm4b:s1+s4], $0x80, v52, vm0, $0xb8;
	[tilespmem:$0x19500] =	vst v63  }
0x12b: {  	_ = 	snop  }
0x12c: {  	[tilespmem:s16], [sflag:$0x3] =	stream.indirect_vreg.gather [hbm4b:s6+s4], $0x80, v52, vm0, $0xb8;
	[tilespmem:$0x19500] =	vst v63  }
0x12d: {  	_ = 	snop  }
0x12e: {  	[tilespmem:s17], [sflag:$0x3] =	stream.indirect_vreg.gather [hbm4b:s1+s4], $0x80, v51, vm0, $0xb8;
	[tilespmem:$0x19500] =	vst v63  }
0x12f: {  	_ = 	snop  }
0x130: {  	[tilespmem:s18], [sflag:$0x3] =	stream.indirect_vreg.gather [hbm4b:s6+s4], $0x80, v51, vm0, $0xb8;
	[tilespmem:$0x19500] =	vst v63  }
0x131: {  	v51 =	vld [tilespmem:$0x1220];
	_ =	sdelay $0x4  }
0x132: {  	v56 =	vshll.u32 v51, $0x2  }
0x133: {  	v51 =	vand.u32 $0x7, v51;
	v52 =	vand.u32 $0xFFFFFFE0, v56  }
0x134: {  	v51 =	vor.u32 v51, v52  }
0x135: {  	v52 =	vperm.xlane v51, v0;
	_ =	sdelay $0x1  }
0x136: {  	v52 =	vadd.s32 v2, v52;
	_ =	sdelay $0x1  }
0x137: {  	v51 =	vperm.xlane v51, v34;
	_ =	sdelay $0x1  }
0x138: {  	v51 =	vadd.s32 v2, v51  }
0x139: {  	[tilespmem:s19], [sflag:$0x3] =	stream.indirect_vreg.gather [hbm4b:s1+s4], $0x80, v52, vm0, $0xb8;
	[tilespmem:$0x19500] =	vst v63  }
0x13a: {  	_ = 	snop  }
0x13b: {  	[tilespmem:s20], [sflag:$0x3] =	stream.indirect_vreg.gather [hbm4b:s6+s4], $0x80, v52, vm0, $0xb8;
	[tilespmem:$0x19500] =	vst v63  }
0x13c: {  	_ = 	snop  }
0x13d: {  	[tilespmem:s21], [sflag:$0x3] =	stream.indirect_vreg.gather [hbm4b:s1+s4], $0x80, v51, vm0, $0xb8;
	[tilespmem:$0x19500] =	vst v63  }
0x13e: {  	_ = 	snop  }
0x13f: {  	[tilespmem:s22], [sflag:$0x3] =	stream.indirect_vreg.gather [hbm4b:s6+s4], $0x80, v51, vm0, $0xb8;
	[tilespmem:$0x19500] =	vst v63  }
0x140: {  	v51 =	vld [tilespmem:$0x1230];
	_ =	sdelay $0x4  }
0x141: {  	v57 =	vshll.u32 v51, $0x2  }
0x142: {  	v51 =	vand.u32 $0x7, v51;
	v52 =	vand.u32 $0xFFFFFFE0, v57  }
0x143: {  	v51 =	vor.u32 v51, v52  }
0x144: {  	v52 =	vperm.xlane v51, v0;
	_ =	sdelay $0x1  }
0x145: {  	v52 =	vadd.s32 v2, v52;
	_ =	sdelay $0x1  }
0x146: {  	v51 =	vperm.xlane v51, v34;
	_ =	sdelay $0x1  }
0x147: {  	v51 =	vadd.s32 v2, v51  }
0x148: {  	[tilespmem:s23], [sflag:$0x3] =	stream.indirect_vreg.gather [hbm4b:s1+s4], $0x80, v52, vm0, $0xb8;
	[tilespmem:$0x19500] =	vst v63  }
0x149: {  	_ = 	snop  }
0x14a: {  	[tilespmem:s26], [sflag:$0x3] =	stream.indirect_vreg.gather [hbm4b:s6+s4], $0x80, v52, vm0, $0xb8;
	[tilespmem:$0x19500] =	vst v63  }
0x14b: {  	_ = 	snop  }
0x14c: {  	[tilespmem:s30], [sflag:$0x3] =	stream.indirect_vreg.gather [hbm4b:s1+s4], $0x80, v51, vm0, $0xb8;
	[tilespmem:$0x19500] =	vst v63  }
0x14d: {  	s11 =	simm.s32 $0x10D00  }
0x14e: {  	[tilespmem:s11], [sflag:$0x3] =	stream.indirect_vreg.gather [hbm4b:s6+s4], $0x80, v51, vm0, $0xb8;
	[tilespmem:$0x19500] =	vst v63  }
0x14f: {  	v51 =	vld.idx.msk [tilespmem:v39+s28+$0x0], $0xffff;
	_ =	sdelay $0x4  }
0x150: {  	v51 =	vadd.s32 v7, v51;
	_ =	sdelay $0x4  }
0x151: {  	v51 =	vld.idx.msk [tilespmem:v51+s9+$0x0], $0xffff;
	_ =	sdelay $0x4  }
0x152: {  	[tilespmem:$0x1280] =	vst v51  }
0x153: {  	v52 =	vld.idx.msk [tilespmem:v40+s28+$0x0], $0xffff;
	_ =	sdelay $0x4  }
0x154: {  	v52 =	vadd.s32 v8, v52;
	_ =	sdelay $0x4  }
0x155: {  	v52 =	vld.idx.msk [tilespmem:v52+s9+$0x0], $0xffff;
	_ =	sdelay $0x4  }
0x156: {  	[tilespmem:$0x1290] =	vst v52  }
0x157: {  	v52 =	vld.idx.msk [tilespmem:v41+s28+$0x0], $0xffff;
	_ =	sdelay $0x4  }
0x158: {  	v52 =	vadd.s32 v9, v52;
	_ =	sdelay $0x4  }
0x159: {  	v52 =	vld.idx.msk [tilespmem:v52+s9+$0x0], $0xffff;
	_ =	sdelay $0x4  }
0x15a: {  	[tilespmem:$0x12A0] =	vst v52  }
0x15b: {  	v52 =	vld.idx.msk [tilespmem:v42+s28+$0x0], $0xffff;
	_ =	sdelay $0x4  }
0x15c: {  	v52 =	vadd.s32 v10, v52  }
0x15d: {  	v58 =	vshll.u32 v51, $0x2  }
0x15e: {  	v51 =	vand.u32 $0x7, v51;
	v53 =	vand.u32 $0xFFFFFFE0, v58  }
0x15f: {  	v51 =	vor.u32 v51, v53  }
0x160: {  	v53 =	vperm.xlane v51, v0  }
0x161: {  	v52 =	vld.idx.msk [tilespmem:v52+s9+$0x0], $0xffff  }
0x162: {  	v53 =	vadd.s32 v2, v53;
	_ =	sdelay $0x1  }
0x163: {  	v51 =	vperm.xlane v51, v34;
	_ =	sdelay $0x1  }
0x164: {  	s11 =	simm.s32 $0x11500;
	v51 =	vadd.s32 v2, v51;
	[tilespmem:$0x12B0] =	vst v52  }
0x165: {  	[tilespmem:s11], [sflag:$0x4] =	stream.indirect_vreg.gather [hbm4b:s1+s4], $0x80, v53, vm0, $0xb8;
	[tilespmem:$0x19500] =	vst v63  }
0x166: {  	s12 =	rddreg [dreg:$0x13]  }
0x167: {  	[tilespmem:s12], [sflag:$0x4] =	stream.indirect_vreg.gather [hbm4b:s6+s4], $0x80, v53, vm0, $0xb8;
	[tilespmem:$0x19500] =	vst v63  }
0x168: {  	s13 =	rddreg [dreg:$0x14]  }
0x169: {  	[tilespmem:s13], [sflag:$0x4] =	stream.indirect_vreg.gather [hbm4b:s1+s4], $0x80, v51, vm0, $0xb8;
	[tilespmem:$0x19500] =	vst v63  }
0x16a: {  	s12 =	rddreg [dreg:$0x15]  }
0x16b: {  	[tilespmem:s12], [sflag:$0x4] =	stream.indirect_vreg.gather [hbm4b:s6+s4], $0x80, v51, vm0, $0xb8;
	[tilespmem:$0x19500] =	vst v63  }
0x16c: {  	v51 =	vld [tilespmem:$0x1290];
	_ =	sdelay $0x4  }
0x16d: {  	v59 =	vshll.u32 v51, $0x2  }
0x16e: {  	v51 =	vand.u32 $0x7, v51;
	v52 =	vand.u32 $0xFFFFFFE0, v59  }
0x16f: {  	v51 =	vor.u32 v51, v52  }
0x170: {  	v52 =	vperm.xlane v51, v0;
	_ =	sdelay $0x1  }
0x171: {  	v52 =	vadd.s32 v2, v52;
	_ =	sdelay $0x1  }
0x172: {  	v51 =	vperm.xlane v51, v34;
	_ =	sdelay $0x1  }
0x173: {  	s12 =	rddreg [dreg:$0x16];
	v51 =	vadd.s32 v2, v51  }
0x174: {  	[tilespmem:s12], [sflag:$0x4] =	stream.indirect_vreg.gather [hbm4b:s1+s4], $0x80, v52, vm0, $0xb8;
	[tilespmem:$0x19500] =	vst v63  }
0x175: {  	s13 =	rddreg [dreg:$0x17]  }
0x176: {  	[tilespmem:s13], [sflag:$0x4] =	stream.indirect_vreg.gather [hbm4b:s6+s4], $0x80, v52, vm0, $0xb8;
	[tilespmem:$0x19500] =	vst v63  }
0x177: {  	s12 =	rddreg [dreg:$0x18]  }
0x178: {  	[tilespmem:s12], [sflag:$0x4] =	stream.indirect_vreg.gather [hbm4b:s1+s4], $0x80, v51, vm0, $0xb8;
	[tilespmem:$0x19500] =	vst v63  }
0x179: {  	s13 =	rddreg [dreg:$0x19]  }
0x17a: {  	[tilespmem:s13], [sflag:$0x4] =	stream.indirect_vreg.gather [hbm4b:s6+s4], $0x80, v51, vm0, $0xb8;
	[tilespmem:$0x19500] =	vst v63  }
0x17b: {  	v51 =	vld [tilespmem:$0x12A0];
	_ =	sdelay $0x4  }
0x17c: {  	v60 =	vshll.u32 v51, $0x2  }
0x17d: {  	v51 =	vand.u32 $0x7, v51;
	v52 =	vand.u32 $0xFFFFFFE0, v60  }
0x17e: {  	v51 =	vor.u32 v51, v52  }
0x17f: {  	v52 =	vperm.xlane v51, v0;
	_ =	sdelay $0x1  }
0x180: {  	v52 =	vadd.s32 v2, v52;
	_ =	sdelay $0x1  }
0x181: {  	v51 =	vperm.xlane v51, v34;
	_ =	sdelay $0x1  }
0x182: {  	s12 =	rddreg [dreg:$0x1a];
	v51 =	vadd.s32 v2, v51  }
0x183: {  	[tilespmem:s12], [sflag:$0x4] =	stream.indirect_vreg.gather [hbm4b:s1+s4], $0x80, v52, vm0, $0xb8;
	[tilespmem:$0x19500] =	vst v63  }
0x184: {  	s13 =	rddreg [dreg:$0x1b]  }
0x185: {  	[tilespmem:s13], [sflag:$0x4] =	stream.indirect_vreg.gather [hbm4b:s6+s4], $0x80, v52, vm0, $0xb8;
	[tilespmem:$0x19500] =	vst v63  }
0x186: {  	s12 =	rddreg [dreg:$0x1c]  }
0x187: {  	[tilespmem:s12], [sflag:$0x4] =	stream.indirect_vreg.gather [hbm4b:s1+s4], $0x80, v51, vm0, $0xb8;
	[tilespmem:$0x19500] =	vst v63  }
0x188: {  	s13 =	rddreg [dreg:$0x1d]  }
0x189: {  	[tilespmem:s13], [sflag:$0x4] =	stream.indirect_vreg.gather [hbm4b:s6+s4], $0x80, v51, vm0, $0xb8;
	[tilespmem:$0x19500] =	vst v63  }
0x18a: {  	v51 =	vld [tilespmem:$0x12B0];
	_ =	sdelay $0x4  }
0x18b: {  	v61 =	vshll.u32 v51, $0x2  }
0x18c: {  	v51 =	vand.u32 $0x7, v51;
	v52 =	vand.u32 $0xFFFFFFE0, v61  }
0x18d: {  	v51 =	vor.u32 v51, v52  }
0x18e: {  	v52 =	vperm.xlane v51, v0;
	_ =	sdelay $0x1  }
0x18f: {  	v52 =	vadd.s32 v2, v52;
	_ =	sdelay $0x1  }
0x190: {  	v51 =	vperm.xlane v51, v34  }
0x191: {  	s12 =	rddreg [dreg:$0x1e]  }
0x192: {  	s13 =	rddreg [dreg:$0x1f];
	v51 =	vadd.s32 v2, v51  }
0x193: {  	[tilespmem:s12], [sflag:$0x4] =	stream.indirect_vreg.gather [hbm4b:s1+s4], $0x80, v52, vm0, $0xb8;
	[tilespmem:$0x19500] =	vst v63  }
0x194: {  	s12 =	sld [smem:$0x7FB]  }
0x195: {  	[tilespmem:s13], [sflag:$0x4] =	stream.indirect_vreg.gather [hbm4b:s6+s4], $0x80, v52, vm0, $0xb8;
	[tilespmem:$0x19500] =	vst v63  }
0x196: {  	s13 =	sld [smem:$0x7FC]  }
0x197: {  	[tilespmem:s12], [sflag:$0x4] =	stream.indirect_vreg.gather [hbm4b:s1+s4], $0x80, v51, vm0, $0xb8;
	[tilespmem:$0x19500] =	vst v63  }
0x198: {  	_ = 	snop  }
0x199: {  	[tilespmem:s13], [sflag:$0x4] =	stream.indirect_vreg.gather [hbm4b:s6+s4], $0x80, v51, vm0, $0xb8;
	[tilespmem:$0x19500] =	vst v63  }
0x19a: {  	v51 =	vld.idx.msk [tilespmem:v43+s28+$0x0], $0xffff;
	_ =	sdelay $0x4  }
0x19b: {  	v51 =	vadd.s32 v11, v51;
	_ =	sdelay $0x4  }
0x19c: {  	v51 =	vld.idx.msk [tilespmem:v51+s9+$0x0], $0xffff;
	_ =	sdelay $0x4  }
0x19d: {  	[tilespmem:$0x1300] =	vst v51  }
0x19e: {  	v51 =	vld.idx.msk [tilespmem:v44+s28+$0x0], $0xffff;
	_ =	sdelay $0x4  }
0x19f: {  	v51 =	vadd.s32 v12, v51;
	_ =	sdelay $0x4  }
0x1a0: {  	v51 =	vld.idx.msk [tilespmem:v51+s9+$0x0], $0xffff;
	_ =	sdelay $0x4  }
0x1a1: {  	[tilespmem:$0x1310] =	vst v51  }
0x1a2: {  	v51 =	vld.idx.msk [tilespmem:v45+s28+$0x0], $0xffff;
	_ =	sdelay $0x4  }
0x1a3: {  	v51 =	vadd.s32 v13, v51;
	_ =	sdelay $0x4  }
0x1a4: {  	v51 =	vld.idx.msk [tilespmem:v51+s9+$0x0], $0xffff;
	_ =	sdelay $0x4  }
0x1a5: {  	[tilespmem:$0x1320] =	vst v51  }
0x1a6: {  	v51 =	vld.idx.msk [tilespmem:v3+s28+$0x0], $0xffff;
	_ =	sdelay $0x4  }
0x1a7: {  	v51 =	vadd.s32 v14, v51;
	_ =	sdelay $0x4  }
0x1a8: {  	v51 =	vld.idx.msk [tilespmem:v51+s9+$0x0], $0xffff;
	_ =	sdelay $0x4  }
0x1a9: {  	[tilespmem:$0x1330] =	vst v51  }
0x1aa: {  	v51 =	vld.idx.msk [tilespmem:v46+s28+$0x0], $0xffff;
	_ =	sdelay $0x4  }
0x1ab: {  	v51 =	vadd.s32 v15, v51;
	_ =	sdelay $0x4  }
0x1ac: {  	v51 =	vld.idx.msk [tilespmem:v51+s9+$0x0], $0xffff;
	_ =	sdelay $0x4  }
0x1ad: {  	[tilespmem:$0x1380] =	vst v51  }
0x1ae: {  	v51 =	vld.idx.msk [tilespmem:v47+s28+$0x0], $0xffff;
	_ =	sdelay $0x4  }
0x1af: {  	v51 =	vadd.s32 v16, v51;
	_ =	sdelay $0x4  }
0x1b0: {  	v51 =	vld.idx.msk [tilespmem:v51+s9+$0x0], $0xffff;
	_ =	sdelay $0x4  }
0x1b1: {  	[tilespmem:$0x1390] =	vst v51  }
0x1b2: {  	v51 =	vld.idx.msk [tilespmem:v48+s28+$0x0], $0xffff;
	_ =	sdelay $0x4  }
0x1b3: {  	v51 =	vadd.s32 v17, v51;
	_ =	sdelay $0x4  }
0x1b4: {  	v51 =	vld.idx.msk [tilespmem:v51+s9+$0x0], $0xffff;
	_ =	sdelay $0x4  }
0x1b5: {  	[tilespmem:$0x13A0] =	vst v51  }
0x1b6: {  	v51 =	vld.idx.msk [tilespmem:v49+s28+$0x0], $0xffff;
	_ =	sdelay $0x4  }
0x1b7: {  	v51 =	vadd.s32 v18, v51;
	_ =	sdelay $0x4  }
0x1b8: {  	v51 =	vld.idx.msk [tilespmem:v51+s9+$0x0], $0xffff;
	_ =	sdelay $0x4  }
0x1b9: {  	[tilespmem:$0x13B0] =	vst v51  }
0x1ba: {  	v51 =	vld.idx.msk [tilespmem:v1+s28+$0x0], $0xffff;
	_ =	sdelay $0x4  }
0x1bb: {  	v51 =	vadd.s32 v50, v51;
	_ =	sdelay $0x4  }
0x1bc: {  	v51 =	vld.idx.msk [tilespmem:v51+s9+$0x0], $0xffff;
	_ =	sdelay $0x4  }
0x1bd: {  	[tilespmem:$0x1400] =	vst v51  }
0x1be: {  	v51 =	vld.idx.msk [tilespmem:v36+s28+$0x0], $0xffff;
	_ =	sdelay $0x4  }
0x1bf: {  	v51 =	vadd.s32 v19, v51;
	_ =	sdelay $0x4  }
0x1c0: {  	v51 =	vld.idx.msk [tilespmem:v51+s9+$0x0], $0xffff;
	_ =	sdelay $0x4  }
0x1c1: {  	[tilespmem:$0x1410] =	vst v51  }
0x1c2: {  	v51 =	vld.idx.msk [tilespmem:v37+s28+$0x0], $0xffff;
	_ =	sdelay $0x4  }
0x1c3: {  	v51 =	vadd.s32 v20, v51;
	_ =	sdelay $0x4  }
0x1c4: {  	v51 =	vld.idx.msk [tilespmem:v51+s9+$0x0], $0xffff;
	_ =	sdelay $0x4  }
0x1c5: {  	[tilespmem:$0x1420] =	vst v51  }
0x1c6: {  	v51 =	vld.idx.msk [tilespmem:v38+s28+$0x0], $0xffff;
	_ =	sdelay $0x4  }
0x1c7: {  	v51 =	vadd.s32 v21, v51;
	_ =	sdelay $0x4  }
0x1c8: {  	v51 =	vld.idx.msk [tilespmem:v51+s9+$0x0], $0xffff;
	_ =	sdelay $0x4  }
0x1c9: {  	[tilespmem:$0x1430] =	vst v51  }
0x1ca: {  	v51 =	vld.idx.msk [tilespmem:v39+s28+$0x0], $0xffff;
	_ =	sdelay $0x4  }
0x1cb: {  	v51 =	vadd.s32 v22, v51;
	_ =	sdelay $0x4  }
0x1cc: {  	v51 =	vld.idx.msk [tilespmem:v51+s9+$0x0], $0xffff;
	_ =	sdelay $0x4  }
0x1cd: {  	[tilespmem:$0x1440] =	vst v51  }
0x1ce: {  	v51 =	vld.idx.msk [tilespmem:v40+s28+$0x0], $0xffff;
	_ =	sdelay $0x4  }
0x1cf: {  	v51 =	vadd.s32 v23, v51;
	_ =	sdelay $0x4  }
0x1d0: {  	v51 =	vld.idx.msk [tilespmem:v51+s9+$0x0], $0xffff;
	_ =	sdelay $0x4  }
0x1d1: {  	[tilespmem:$0x1450] =	vst v51  }
0x1d2: {  	v51 =	vld.idx.msk [tilespmem:v41+s28+$0x0], $0xffff;
	_ =	sdelay $0x4  }
0x1d3: {  	v51 =	vadd.s32 v24, v51;
	_ =	sdelay $0x4  }
0x1d4: {  	v51 =	vld.idx.msk [tilespmem:v51+s9+$0x0], $0xffff;
	_ =	sdelay $0x4  }
0x1d5: {  	[tilespmem:$0x1460] =	vst v51  }
0x1d6: {  	v51 =	vld.idx.msk [tilespmem:v42+s28+$0x0], $0xffff;
	_ =	sdelay $0x4  }
0x1d7: {  	v51 =	vadd.s32 v25, v51;
	_ =	sdelay $0x4  }
0x1d8: {  	v51 =	vld.idx.msk [tilespmem:v51+s9+$0x0], $0xffff;
	_ =	sdelay $0x4  }
0x1d9: {  	[tilespmem:$0x1470] =	vst v51  }
0x1da: {  	v51 =	vld.idx.msk [tilespmem:v43+s28+$0x0], $0xffff;
	_ =	sdelay $0x4  }
0x1db: {  	v51 =	vadd.s32 v26, v51;
	_ =	sdelay $0x4  }
0x1dc: {  	v51 =	vld.idx.msk [tilespmem:v51+s9+$0x0], $0xffff;
	_ =	sdelay $0x4  }
0x1dd: {  	[tilespmem:$0x1480] =	vst v51  }
0x1de: {  	v51 =	vld.idx.msk [tilespmem:v44+s28+$0x0], $0xffff;
	_ =	sdelay $0x4  }
0x1df: {  	v51 =	vadd.s32 v27, v51;
	_ =	sdelay $0x4  }
0x1e0: {  	v51 =	vld.idx.msk [tilespmem:v51+s9+$0x0], $0xffff;
	_ =	sdelay $0x4  }
0x1e1: {  	[tilespmem:$0x1490] =	vst v51  }
0x1e2: {  	v51 =	vld.idx.msk [tilespmem:v45+s28+$0x0], $0xffff;
	_ =	sdelay $0x4  }
0x1e3: {  	v51 =	vadd.s32 v28, v51;
	_ =	sdelay $0x4  }
0x1e4: {  	v51 =	vld.idx.msk [tilespmem:v51+s9+$0x0], $0xffff;
	_ =	sdelay $0x4  }
0x1e5: {  	[tilespmem:$0x14A0] =	vst v51  }
0x1e6: {  	v51 =	vld.idx.msk [tilespmem:v3+s28+$0x0], $0xffff;
	_ =	sdelay $0x4  }
0x1e7: {  	v51 =	vadd.s32 v29, v51;
	_ =	sdelay $0x4  }
0x1e8: {  	v51 =	vld.idx.msk [tilespmem:v51+s9+$0x0], $0xffff;
	_ =	sdelay $0x4  }
0x1e9: {  	[tilespmem:$0x14B0] =	vst v51  }
0x1ea: {  	v51 =	vld.idx.msk [tilespmem:v46+s28+$0x0], $0xffff;
	_ =	sdelay $0x4  }
0x1eb: {  	v51 =	vadd.s32 v30, v51;
	_ =	sdelay $0x4  }
0x1ec: {  	v51 =	vld.idx.msk [tilespmem:v51+s9+$0x0], $0xffff;
	_ =	sdelay $0x4  }
0x1ed: {  	[tilespmem:$0x14C0] =	vst v51  }
0x1ee: {  	v51 =	vld.idx.msk [tilespmem:v47+s28+$0x0], $0xffff;
	_ =	sdelay $0x4  }
0x1ef: {  	v51 =	vadd.s32 v31, v51;
	_ =	sdelay $0x4  }
0x1f0: {  	v51 =	vld.idx.msk [tilespmem:v51+s9+$0x0], $0xffff;
	_ =	sdelay $0x4  }
0x1f1: {  	[tilespmem:$0x14D0] =	vst v51  }
0x1f2: {  	v51 =	vld.idx.msk [tilespmem:v48+s28+$0x0], $0xffff;
	_ =	sdelay $0x4  }
0x1f3: {  	v51 =	vadd.s32 v32, v51;
	_ =	sdelay $0x4  }
0x1f4: {  	v51 =	vld.idx.msk [tilespmem:v51+s9+$0x0], $0xffff;
	_ =	sdelay $0x4  }
0x1f5: {  	[tilespmem:$0x14E0] =	vst v51  }
0x1f6: {  	v51 =	vld.idx.msk [tilespmem:v49+s28+$0x0], $0xffff;
	_ =	sdelay $0x4  }
0x1f7: {  	v51 =	vadd.s32 v33, v51;
	_ =	sdelay $0x4  }
0x1f8: {  	v51 =	vld.idx.msk [tilespmem:v51+s9+$0x0], $0xffff;
	_ =	sdelay $0x2  }
0x1f9: {  	s13 =	sld [smem:$0x7FD];
	_ =	sdelay $0x1  }
0x1fa: {  	s12 =	rddreg [dreg:$0x9];
	[tilespmem:$0x14F0] =	vst v51  }
0x1fb: {  	[hbm4b:s12+s4] =	stream.linear.scatter [tilespmem:s13], [sflag:$0x8], $0x100, $0x38;
	[tilespmem:$0x19500] =	vst v63  }
0x1fc: {  	_ =	swait.ge [sflag:s24], $0x4000  }
0x1fd: {  	[sflag:s24] =	ssyncset.done $0x0  }
0x1fe: {  	[sflag:s24] =	ssyncadd.s32 $0xFFFFC000  }
0x1ff: {  	_ =	swait.ge [sflag:s24], $0x4000  }
0x200: {  	[sflag:s24] =	ssyncset.done $0x0  }
0x201: {  	s12 =	rddreg [dreg:$0xa];
	[sflag:s24] =	ssyncadd.s32 $0xFFFFC000  }
0x202: {  	[hbm4b:s12+s4] =	stream.linear.scatter [tilespmem:s29], [sflag:$0x5], $0x4000, $0x38;
	[tilespmem:$0x19500] =	vst v63  }
0x203: {  	s13 =	rddreg [dreg:$0xb]  }
0x204: {  	[hbm4b:s13+s4] =	stream.linear.scatter [tilespmem:s0], [sflag:$0x5], $0x4000, $0x38;
	[tilespmem:$0x19500] =	vst v63  }
0x205: {  	_ =	swait.ge [sflag:s25], $0x8000  }
0x206: {  	[sflag:s25] =	ssyncset.done $0x0  }
0x207: {  	s13 =	rddreg [dreg:$0xc];
	[sflag:s25] =	ssyncadd.s32 $0xFFFF8000  }
0x208: {  	[hbm4b:s13+s4] =	stream.linear.scatter [tilespmem:s8], [sflag:$0x6], $0x8000, $0x38;
	[tilespmem:$0x19500] =	vst v63  }
0x209: {  	s13 =	simm.s32 $0x4  }
0x20a: {  	_ =	swait.ge [sflag:s13], $0x8000  }
0x20b: {  	[sflag:s13] =	ssyncset.done $0x0  }
0x20c: {  	s12 =	rddreg [dreg:$0xd];
	[sflag:s13] =	ssyncadd.s32 $0xFFFF8000  }
0x20d: {  	[hbm4b:s12+s4] =	stream.linear.scatter [tilespmem:s11], [sflag:$0x7], $0x8000, $0x38;
	[tilespmem:$0x19500] =	vst v63  }
0x20e: {  	_ =	swait.ge [sflag:s31], $0x4000  }
0x20f: {  	[sflag:s31] =	ssyncset.done $0x0  }
0x210: {  	[sflag:s31] =	ssyncadd.s32 $0xFFFFC000  }
0x211: {  	_ =	swait.ge [sflag:s31], $0x4000  }
0x212: {  	[sflag:s31] =	ssyncset.done $0x0  }
0x213: {  	[sflag:s31] =	ssyncadd.s32 $0xFFFFC000  }
0x214: {  	v62 =	vld [tilespmem:$0x1300];
	_ =	sdelay $0x4  }
0x215: {  	v63 =	vshll.u32 v62, $0x2  }
0x216: {  	v51 =	vand.u32 $0x7, v62;
	v52 =	vand.u32 $0xFFFFFFE0, v63  }
0x217: {  	v51 =	vor.u32 v51, v52  }
0x218: {  	v52 =	vperm.xlane v51, v0;
	_ =	sdelay $0x1  }
0x219: {  	v52 =	vadd.s32 v2, v52;
	_ =	sdelay $0x1  }
0x21a: {  	v51 =	vperm.xlane v51, v34;
	_ =	sdelay $0x1  }
0x21b: {  	v51 =	vadd.s32 v2, v51  }
0x21c: {  	[tilespmem:s29], [sflag:$0x2] =	stream.indirect_vreg.gather [hbm4b:s1+s4], $0x80, v52, vm0, $0xb8;
	[tilespmem:$0x19500] =	vst v63  }
0x21d: {  	s12 =	simm.s32 $0x1D00  }
0x21e: {  	[tilespmem:s12], [sflag:$0x2] =	stream.indirect_vreg.gather [hbm4b:s6+s4], $0x80, v52, vm0, $0xb8;
	[tilespmem:$0x19500] =	vst v63  }
0x21f: {  	s13 =	simm.s32 $0x2500  }
0x220: {  	[tilespmem:s13], [sflag:$0x2] =	stream.indirect_vreg.gather [hbm4b:s1+s4], $0x80, v51, vm0, $0xb8;
	[tilespmem:$0x19500] =	vst v63  }
0x221: {  	s12 =	simm.s32 $0x2D00  }
0x222: {  	[tilespmem:s12], [sflag:$0x2] =	stream.indirect_vreg.gather [hbm4b:s6+s4], $0x80, v51, vm0, $0xb8;
	[tilespmem:$0x19500] =	vst v63  }
0x223: {  	v51 =	vld [tilespmem:$0x1310];
	_ =	sdelay $0x4  }
0x224: {  	v56 =	vshll.u32 v51, $0x2  }
0x225: {  	v51 =	vand.u32 $0x7, v51;
	v52 =	vand.u32 $0xFFFFFFE0, v56  }
0x226: {  	v51 =	vor.u32 v51, v52  }
0x227: {  	v52 =	vperm.xlane v51, v0;
	_ =	sdelay $0x1  }
0x228: {  	v52 =	vadd.s32 v2, v52;
	_ =	sdelay $0x1  }
0x229: {  	v51 =	vperm.xlane v51, v34;
	_ =	sdelay $0x1  }
0x22a: {  	s13 =	simm.s32 $0x3500;
	v51 =	vadd.s32 v2, v51  }
0x22b: {  	[tilespmem:s13], [sflag:$0x2] =	stream.indirect_vreg.gather [hbm4b:s1+s4], $0x80, v52, vm0, $0xb8;
	[tilespmem:$0x19500] =	vst v63  }
0x22c: {  	s12 =	simm.s32 $0x3D00  }
0x22d: {  	[tilespmem:s12], [sflag:$0x2] =	stream.indirect_vreg.gather [hbm4b:s6+s4], $0x80, v52, vm0, $0xb8;
	[tilespmem:$0x19500] =	vst v63  }
0x22e: {  	s13 =	simm.s32 $0x4500  }
0x22f: {  	[tilespmem:s13], [sflag:$0x2] =	stream.indirect_vreg.gather [hbm4b:s1+s4], $0x80, v51, vm0, $0xb8;
	[tilespmem:$0x19500] =	vst v63  }
0x230: {  	s12 =	simm.s32 $0x4D00  }
0x231: {  	[tilespmem:s12], [sflag:$0x2] =	stream.indirect_vreg.gather [hbm4b:s6+s4], $0x80, v51, vm0, $0xb8;
	[tilespmem:$0x19500] =	vst v63  }
0x232: {  	v51 =	vld [tilespmem:$0x1320];
	_ =	sdelay $0x4  }
0x233: {  	v57 =	vshll.u32 v51, $0x2  }
0x234: {  	v51 =	vand.u32 $0x7, v51;
	v52 =	vand.u32 $0xFFFFFFE0, v57  }
0x235: {  	v51 =	vor.u32 v51, v52  }
0x236: {  	v52 =	vperm.xlane v51, v0;
	_ =	sdelay $0x1  }
0x237: {  	v52 =	vadd.s32 v2, v52;
	_ =	sdelay $0x1  }
0x238: {  	v51 =	vperm.xlane v51, v34;
	_ =	sdelay $0x1  }
0x239: {  	v51 =	vadd.s32 v2, v51  }
0x23a: {  	[tilespmem:s0], [sflag:$0x2] =	stream.indirect_vreg.gather [hbm4b:s1+s4], $0x80, v52, vm0, $0xb8;
	[tilespmem:$0x19500] =	vst v63  }
0x23b: {  	s13 =	simm.s32 $0x5D00  }
0x23c: {  	[tilespmem:s13], [sflag:$0x2] =	stream.indirect_vreg.gather [hbm4b:s6+s4], $0x80, v52, vm0, $0xb8;
	[tilespmem:$0x19500] =	vst v63  }
0x23d: {  	s11 =	simm.s32 $0x6500  }
0x23e: {  	[tilespmem:s11], [sflag:$0x2] =	stream.indirect_vreg.gather [hbm4b:s1+s4], $0x80, v51, vm0, $0xb8;
	[tilespmem:$0x19500] =	vst v63  }
0x23f: {  	s12 =	simm.s32 $0x6D00  }
0x240: {  	[tilespmem:s12], [sflag:$0x2] =	stream.indirect_vreg.gather [hbm4b:s6+s4], $0x80, v51, vm0, $0xb8;
	[tilespmem:$0x19500] =	vst v63  }
0x241: {  	v51 =	vld [tilespmem:$0x1330];
	_ =	sdelay $0x4  }
0x242: {  	v58 =	vshll.u32 v51, $0x2  }
0x243: {  	v51 =	vand.u32 $0x7, v51;
	v52 =	vand.u32 $0xFFFFFFE0, v58  }
0x244: {  	v51 =	vor.u32 v51, v52  }
0x245: {  	v52 =	vperm.xlane v51, v0;
	_ =	sdelay $0x1  }
0x246: {  	v52 =	vadd.s32 v2, v52;
	_ =	sdelay $0x1  }
0x247: {  	v51 =	vperm.xlane v51, v34;
	_ =	sdelay $0x1  }
0x248: {  	s13 =	simm.s32 $0x7500;
	v51 =	vadd.s32 v2, v51  }
0x249: {  	[tilespmem:s13], [sflag:$0x2] =	stream.indirect_vreg.gather [hbm4b:s1+s4], $0x80, v52, vm0, $0xb8;
	[tilespmem:$0x19500] =	vst v63  }
0x24a: {  	s11 =	simm.s32 $0x7D00  }
0x24b: {  	[tilespmem:s11], [sflag:$0x2] =	stream.indirect_vreg.gather [hbm4b:s6+s4], $0x80, v52, vm0, $0xb8;
	[tilespmem:$0x19500] =	vst v63  }
0x24c: {  	s12 =	simm.s32 $0x8500  }
0x24d: {  	[tilespmem:s12], [sflag:$0x2] =	stream.indirect_vreg.gather [hbm4b:s1+s4], $0x80, v51, vm0, $0xb8;
	[tilespmem:$0x19500] =	vst v63  }
0x24e: {  	s13 =	simm.s32 $0x8D00  }
0x24f: {  	[tilespmem:s13], [sflag:$0x2] =	stream.indirect_vreg.gather [hbm4b:s6+s4], $0x80, v51, vm0, $0xb8;
	[tilespmem:$0x19500] =	vst v63  }
0x250: {  	_ =	swait.ge [sflag:s24], $0x8000  }
0x251: {  	[sflag:s24] =	ssyncset.done $0x0  }
0x252: {  	s11 =	rddreg [dreg:$0xe];
	[sflag:s24] =	ssyncadd.s32 $0xFFFF8000  }
0x253: {  	[hbm4b:s11+s4] =	stream.linear.scatter [tilespmem:s29], [sflag:$0x5], $0x8000, $0x38;
	[tilespmem:$0x19500] =	vst v63  }
0x254: {  	_ =	swait.ge [sflag:s3], $0x8000  }
0x255: {  	[sflag:s3] =	ssyncset.done $0x0  }
0x256: {  	[sflag:s3] =	ssyncadd.s32 $0xFFFF8000  }
0x257: {  	v59 =	vld [tilespmem:$0x1380];
	_ =	sdelay $0x4  }
0x258: {  	v60 =	vshll.u32 v59, $0x2  }
0x259: {  	v51 =	vand.u32 $0x7, v59;
	v52 =	vand.u32 $0xFFFFFFE0, v60  }
0x25a: {  	v51 =	vor.u32 v51, v52  }
0x25b: {  	v52 =	vperm.xlane v51, v0;
	_ =	sdelay $0x1  }
0x25c: {  	v52 =	vadd.s32 v2, v52;
	_ =	sdelay $0x1  }
0x25d: {  	v51 =	vperm.xlane v51, v34;
	_ =	sdelay $0x1  }
0x25e: {  	v51 =	vadd.s32 v2, v51  }
0x25f: {  	[tilespmem:s8], [sflag:$0x3] =	stream.indirect_vreg.gather [hbm4b:s1+s4], $0x80, v52, vm0, $0xb8;
	[tilespmem:$0x19500] =	vst v63  }
0x260: {  	s13 =	simm.s32 $0x9D00  }
0x261: {  	[tilespmem:s13], [sflag:$0x3] =	stream.indirect_vreg.gather [hbm4b:s6+s4], $0x80, v52, vm0, $0xb8;
	[tilespmem:$0x19500] =	vst v63  }
0x262: {  	_ = 	snop  }
0x263: {  	[tilespmem:s2], [sflag:$0x3] =	stream.indirect_vreg.gather [hbm4b:s1+s4], $0x80, v51, vm0, $0xb8;
	[tilespmem:$0x19500] =	vst v63  }
0x264: {  	_ = 	snop  }
0x265: {  	[tilespmem:s14], [sflag:$0x3] =	stream.indirect_vreg.gather [hbm4b:s6+s4], $0x80, v51, vm0, $0xb8;
	[tilespmem:$0x19500] =	vst v63  }
0x266: {  	v51 =	vld [tilespmem:$0x1390];
	_ =	sdelay $0x4  }
0x267: {  	v61 =	vshll.u32 v51, $0x2  }
0x268: {  	v51 =	vand.u32 $0x7, v51;
	v52 =	vand.u32 $0xFFFFFFE0, v61  }
0x269: {  	v51 =	vor.u32 v51, v52  }
0x26a: {  	v52 =	vperm.xlane v51, v0;
	_ =	sdelay $0x1  }
0x26b: {  	v52 =	vadd.s32 v2, v52;
	_ =	sdelay $0x1  }
0x26c: {  	v51 =	vperm.xlane v51, v34;
	_ =	sdelay $0x1  }
0x26d: {  	v51 =	vadd.s32 v2, v51  }
0x26e: {  	[tilespmem:s15], [sflag:$0x3] =	stream.indirect_vreg.gather [hbm4b:s1+s4], $0x80, v52, vm0, $0xb8;
	[tilespmem:$0x19500] =	vst v63  }
0x26f: {  	_ = 	snop  }
0x270: {  	[tilespmem:s16], [sflag:$0x3] =	stream.indirect_vreg.gather [hbm4b:s6+s4], $0x80, v52, vm0, $0xb8;
	[tilespmem:$0x19500] =	vst v63  }
0x271: {  	_ = 	snop  }
0x272: {  	[tilespmem:s17], [sflag:$0x3] =	stream.indirect_vreg.gather [hbm4b:s1+s4], $0x80, v51, vm0, $0xb8;
	[tilespmem:$0x19500] =	vst v63  }
0x273: {  	_ = 	snop  }
0x274: {  	[tilespmem:s18], [sflag:$0x3] =	stream.indirect_vreg.gather [hbm4b:s6+s4], $0x80, v51, vm0, $0xb8;
	[tilespmem:$0x19500] =	vst v63  }
0x275: {  	v51 =	vld [tilespmem:$0x13A0];
	_ =	sdelay $0x4  }
0x276: {  	v62 =	vshll.u32 v51, $0x2  }
0x277: {  	v51 =	vand.u32 $0x7, v51;
	v52 =	vand.u32 $0xFFFFFFE0, v62  }
0x278: {  	v51 =	vor.u32 v51, v52  }
0x279: {  	v52 =	vperm.xlane v51, v0;
	_ =	sdelay $0x1  }
0x27a: {  	v52 =	vadd.s32 v2, v52;
	_ =	sdelay $0x1  }
0x27b: {  	v51 =	vperm.xlane v51, v34;
	_ =	sdelay $0x1  }
0x27c: {  	v51 =	vadd.s32 v2, v51  }
0x27d: {  	[tilespmem:s19], [sflag:$0x3] =	stream.indirect_vreg.gather [hbm4b:s1+s4], $0x80, v52, vm0, $0xb8;
	[tilespmem:$0x19500] =	vst v63  }
0x27e: {  	_ = 	snop  }
0x27f: {  	[tilespmem:s20], [sflag:$0x3] =	stream.indirect_vreg.gather [hbm4b:s6+s4], $0x80, v52, vm0, $0xb8;
	[tilespmem:$0x19500] =	vst v63  }
0x280: {  	_ = 	snop  }
0x281: {  	[tilespmem:s21], [sflag:$0x3] =	stream.indirect_vreg.gather [hbm4b:s1+s4], $0x80, v51, vm0, $0xb8;
	[tilespmem:$0x19500] =	vst v63  }
0x282: {  	_ = 	snop  }
0x283: {  	[tilespmem:s22], [sflag:$0x3] =	stream.indirect_vreg.gather [hbm4b:s6+s4], $0x80, v51, vm0, $0xb8;
	[tilespmem:$0x19500] =	vst v63  }
0x284: {  	v51 =	vld [tilespmem:$0x13B0];
	_ =	sdelay $0x4  }
0x285: {  	v63 =	vshll.u32 v51, $0x2  }
0x286: {  	v51 =	vand.u32 $0x7, v51;
	v52 =	vand.u32 $0xFFFFFFE0, v63  }
0x287: {  	v51 =	vor.u32 v51, v52  }
0x288: {  	v52 =	vperm.xlane v51, v0;
	_ =	sdelay $0x1  }
0x289: {  	v52 =	vadd.s32 v2, v52;
	_ =	sdelay $0x1  }
0x28a: {  	v51 =	vperm.xlane v51, v34;
	_ =	sdelay $0x1  }
0x28b: {  	v51 =	vadd.s32 v2, v51  }
0x28c: {  	[tilespmem:s23], [sflag:$0x3] =	stream.indirect_vreg.gather [hbm4b:s1+s4], $0x80, v52, vm0, $0xb8;
	[tilespmem:$0x19500] =	vst v63  }
0x28d: {  	_ = 	snop  }
0x28e: {  	[tilespmem:s26], [sflag:$0x3] =	stream.indirect_vreg.gather [hbm4b:s6+s4], $0x80, v52, vm0, $0xb8;
	[tilespmem:$0x19500] =	vst v63  }
0x28f: {  	_ = 	snop  }
0x290: {  	[tilespmem:s30], [sflag:$0x3] =	stream.indirect_vreg.gather [hbm4b:s1+s4], $0x80, v51, vm0, $0xb8;
	[tilespmem:$0x19500] =	vst v63  }
0x291: {  	s2 =	simm.s32 $0x10D00  }
0x292: {  	[tilespmem:s2], [sflag:$0x3] =	stream.indirect_vreg.gather [hbm4b:s6+s4], $0x80, v51, vm0, $0xb8;
	[tilespmem:$0x19500] =	vst v63  }
0x293: {  	_ =	swait.ge [sflag:s25], $0x8000  }
0x294: {  	[sflag:s25] =	ssyncset.done $0x0  }
0x295: {  	s13 =	simm.s32 $0x7;
	s11 =	rddreg [dreg:$0xf];
	[sflag:s25] =	ssyncadd.s32 $0xFFFF8000  }
0x296: {  	[hbm4b:s11+s4] =	stream.linear.scatter [tilespmem:s8], [sflag:$0x6], $0x8000, $0x38;
	[tilespmem:$0x19500] =	vst v63  }
0x297: {  	_ =	swait.ge [sflag:s13], $0x8000  }
0x298: {  	[sflag:s13] =	ssyncset.done $0x0  }
0x299: {  	[sflag:s13] =	ssyncadd.s32 $0xFFFF8000  }
0x29a: {  	_ =	swait.ge [sflag:s31], $0x8000  }
0x29b: {  	[sflag:s31] =	ssyncset.done $0x0  }
0x29c: {  	[sflag:s31] =	ssyncadd.s32 $0xFFFF8000  }
0x29d: {  	p0 =	sne.s32 s7, $0x1;
	_ =	swait.ge [sflag:s3], $0x8000  }
.Ltmp0:
0x29e: {  	[sflag:s3] =	ssyncset.done $0x0;
	(pc) =	sbr.rel @p0 .LBB2_1-.Ltmp0, $4  }
0x29f: {  	s14 =	simm.s32 $0x8;
	[sflag:s3] =	ssyncadd.s32 $0xFFFF8000  }
0x2a0: {  	_ =	swait.ge [sflag:s14], $0x100  }
0x2a1: {  	[sflag:s14] =	ssyncset.done $0x0  }
0x2a2: {  	s7 =	sadd.s32 $0xFFFFFFFF, s7;
	[sflag:s14] =	ssyncadd.s32 $0xFFFFFF00  }
0x2a3: {  	_ =	sfence.sel $0x180000  }
0x2a4: {  	[bflag:$0x0] =	sbarrier.arrive $0xFFFF  }
0x2a5: {  	_ =	strace $0x90000047  }
0x2a6: {  	s0 =	stileid.u32;
	[bflag:$0x2] =	sbarrier.arrive $0xFFFF  }
0x2a7: {  	p0 =	sne.s32 s0, $0x0;
	s0 =	rddreg [dreg:$0x5]  }
0x2a8: {  	s0 =	sadd.s32 @!p0 $0x100000, s0  }
0x2a9: {  	[sflag:s0] =	ssyncadd.tile.s32 @!p0 $0x1;
	_ =	shalt  }
.Lfunc_end2:
_tile_overlayer_lowered:
.L_overlay_start_2:
0x2aa: {  	(tag) =	ssettag $0x2  }
0x2ab: {  	s0 =	rddreg [dreg:$0x0];
	s2 =	stileid.u32  }
0x2ac: {  	s1 =	rddreg [dreg:$0x1];
	p0 =	sne.s32 s2, $0x0  }
0x2ad: {  	s3 =	rddreg [dreg:$0x2];
	[bflag:$0x3] =	sbarrier.arrive $0xFFFF;
	s2 =	simm.s32 @!p0 $0x1C09  }
0x2ae: {  	[timem:s3], [sflag:s2] =	dma.local @!p0 [hbm:s0], s1  }
0x2af: {  	s0 =	simm.s32 @!p0 $0x9  }
0x2b0: {  	_ =	swait.ge @!p0 [sflag:s0], s1  }
0x2b1: {  	s1 =	ssub.s32 @!p0 $0x0, s1;
	[sflag:s0] =	ssyncset.done @!p0 $0x0  }
0x2b2: {  	[sflag:s0] =	ssyncadd.s32 @!p0 s1  }
0x2b3: {  	[bflag:$0x3] =	sbarrier.arrive $0xFFFF  }
0x2b4: {  	_ =	shalt  }

</sc_bundles>
